<compile_context>
chip_gen: v7x
topology: tpu7x:2x2x1
jax: 0.10.2.dev20260603
libtpu: 0.0.44.dev20260713+nightly
codegen_flags: <defaults>
</compile_context>

<pallas_src>
import functools

import jax
import jax.numpy as jnp
from jax import lax
from jax.experimental import pallas as pl
from jax.experimental.pallas import tpu as pltpu
from jax.experimental.pallas import tpu_sc as plsc


def _make_gather(V, D, B):
    info = plsc.get_sparse_core_info()
    NC, NS = info.num_cores, info.num_subcores
    NW = NC * NS
    assert B % NW == 0
    b_per_w = B // NW
    C = 64
    assert b_per_w % C == 0
    steps = b_per_w // C

    mesh = plsc.VectorSubcoreMesh(core_axis_name="c", subcore_axis_name="s")

    NBUF = 10
    assert steps % NBUF == 0
    rounds = steps // NBUF

    @functools.partial(
        pl.kernel,
        mesh=mesh,
        out_type=jax.ShapeDtypeStruct((B, D), jnp.float32),
        scratch_types=[
            pltpu.VMEM((b_per_w,), jnp.int32),
            pltpu.VMEM((NBUF * C, D), jnp.float32),
            [pltpu.SemaphoreType.DMA] * NBUF,
            [pltpu.SemaphoreType.DMA] * 5,
        ],
    )
    def k(table_hbm, idx_hbm, out_hbm, idx_v, rows, gsems, osems):
        wid = lax.axis_index("s") * NC + lax.axis_index("c")
        base = wid * b_per_w
        pltpu.sync_copy(idx_hbm.at[pl.ds(base, b_per_w)], idx_v)

        def gather(g, b):
            return pltpu.make_async_copy(
                table_hbm.at[idx_v.at[pl.ds(g * C, C)]],
                rows.at[pl.ds(b * C, C)],
                gsems[b],
            )

        for b in range(NBUF):
            gather(b, b).start()

        QTR = NBUF // 5

        def put(g0, q):
            return pltpu.make_async_copy(
                rows.at[pl.ds(q * QTR * C, QTR * C)],
                out_hbm.at[pl.ds(base + (g0 + q * QTR) * C, QTR * C)],
                osems[q],
            )

        def step(i, carry):
            g0 = i * NBUF
            for q in range(5):
                for b in range(q * QTR, (q + 1) * QTR):
                    gather(g0 + b, b).wait()
                put(g0, q).start()
            for q in range(5):
                put(g0, q).wait()
                for b in range(q * QTR, (q + 1) * QTR):
                    gather(g0 + NBUF + b, b).start()
            return carry

        lax.fori_loop(0, rounds - 1, step, 0)

        g0 = (rounds - 1) * NBUF
        for q in range(5):
            for b in range(q * QTR, (q + 1) * QTR):
                gather(g0 + b, b).wait()
            put(g0, q).start()
        for q in range(5):
            put(g0, q).wait()

    return k


_GATHER_CACHE = {}


def kernel(input_ids, word_embeddings):
    V, D = word_embeddings.shape
    shape = input_ids.shape
    B = 1
    for s in shape:
        B *= s
    key = (V, D, B)
    if key not in _GATHER_CACHE:
        _GATHER_CACHE[key] = _make_gather(V, D, B)
    flat = input_ids.reshape(B).astype(jnp.int32)
    out = _GATHER_CACHE[key](word_embeddings, flat)
    return out.reshape(shape + (D,))

# --- scband reference (transcript-rebuilt; emitter-appended) ---
"""Pipeline reference for scband-hbertembeddings-30193620090958 (READ-ONLY COPY).

The authoritative reference and input builder live on the scoring server;
editing this copy changes nothing except your own understanding.
"""

import jax, jax.numpy as jnp
import numpy as np

VOCAB = 1000000
HIDDEN = 128
BATCH = 1024
SEQ = 200

def setup_inputs(seed: int = 0) -> dict:
    key = jax.random.key(seed)
    k1, k2 = jax.random.split(key)
    input_ids = jax.random.randint(k1, (BATCH, SEQ), 0, VOCAB, dtype=jnp.int64 if jax.config.jax_enable_x64 else jnp.int32).astype(jnp.int32)
    word_embeddings = jax.random.normal(k2, (VOCAB, HIDDEN), dtype=jnp.float32) * 0.02
    # padding_idx=0 -> row 0 is zero
    word_embeddings = word_embeddings.at[0].set(0.0)
    return {"input_ids": input_ids, "word_embeddings": word_embeddings}

def reference(input_ids, word_embeddings):
    # nn.Embedding with padding_idx=0: row 0 pinned to zero
    W = word_embeddings.at[0].set(0.0)
    words_embeddings = jnp.take(W, input_ids, axis=0)
    # Dropout in eval mode is identity
    return words_embeddings

if __name__ == "__main__":
    import jax
    _d = setup_inputs()
    print(jax.jit(kernel)(*tuple(_d.values())))

</pallas_src>

<mosaic_0001>
#map = affine_map<(d0, d1) -> (0, 0)>
#map1 = affine_map<(d0, d1) -> (0)>
module attributes {stable_mosaic.version = 14 : i64} {
  func.func @k(%arg0: i32, %arg1: i32, %arg2: memref<1000000x128xf32, #tpu.memory_space<hbm>>, %arg3: memref<204800xi32, #tpu.memory_space<hbm>>, %arg4: memref<204800x128xf32, #tpu.memory_space<hbm>>, %arg5: memref<6400xi32, #tpu.memory_space<vmem>>, %arg6: memref<640x128xf32, #tpu.memory_space<vmem>>, %arg7: memref<!tpu.dma_semaphore, #tpu.memory_space<semaphore_mem>>, %arg8: memref<!tpu.dma_semaphore, #tpu.memory_space<semaphore_mem>>, %arg9: memref<!tpu.dma_semaphore, #tpu.memory_space<semaphore_mem>>, %arg10: memref<!tpu.dma_semaphore, #tpu.memory_space<semaphore_mem>>, %arg11: memref<!tpu.dma_semaphore, #tpu.memory_space<semaphore_mem>>, %arg12: memref<!tpu.dma_semaphore, #tpu.memory_space<semaphore_mem>>, %arg13: memref<!tpu.dma_semaphore, #tpu.memory_space<semaphore_mem>>, %arg14: memref<!tpu.dma_semaphore, #tpu.memory_space<semaphore_mem>>, %arg15: memref<!tpu.dma_semaphore, #tpu.memory_space<semaphore_mem>>, %arg16: memref<!tpu.dma_semaphore, #tpu.memory_space<semaphore_mem>>, %arg17: memref<!tpu.dma_semaphore, #tpu.memory_space<semaphore_mem>>, %arg18: memref<!tpu.dma_semaphore, #tpu.memory_space<semaphore_mem>>, %arg19: memref<!tpu.dma_semaphore, #tpu.memory_space<semaphore_mem>>, %arg20: memref<!tpu.dma_semaphore, #tpu.memory_space<semaphore_mem>>, %arg21: memref<!tpu.dma_semaphore, #tpu.memory_space<semaphore_mem>>) attributes {dimension_semantics = [#tpu.dimension_semantics<core_parallel>, #tpu.dimension_semantics<subcore_parallel>], iteration_bounds = array<i64: 2, 16>, scalar_prefetch = 0 : i64, scratch_operands = 17 : i64, tpu.core_type = #tpu.core_type<sc_vector_subcore>, window_params = [{transform_indices = #map}, {transform_indices = #map1}, {transform_indices = #map}]} {
    %mul3A = arith.constant 2 : i32
    %mul3A_0 = arith.muli %arg1, %mul3A : i32
    %add3A = arith.addi %mul3A_0, %arg0 : i32
    %mul3A_1 = arith.constant 6400 : i32
    %mul3A_2 = arith.muli %add3A, %mul3A_1 : i32
    "tpu.region"() ({
      %run_scoped3A = tpu.sem_alloc : memref<!tpu.dma_semaphore, #tpu.memory_space<semaphore_mem>>
      %dma_start3A_286 = tpu.memref_slice %arg3[%mul3A_2] : memref<204800xi32, #tpu.memory_space<hbm>> -> memref<6400xi32, #tpu.memory_space<hbm>>
      %dma_start3A_287 = tpu.memref_slice %arg3[%mul3A_2] : memref<204800xi32, #tpu.memory_space<hbm>> -> memref<6400xi32, #tpu.memory_space<hbm>>
      tpu.enqueue_dma source(%dma_start3A_287 : memref<6400xi32, #tpu.memory_space<hbm>>) target(%arg5 : memref<6400xi32, #tpu.memory_space<vmem>>) target_semaphore(%run_scoped3A : memref<!tpu.dma_semaphore, #tpu.memory_space<semaphore_mem>>)
      %dma_wait3A_288 = tpu.memref_slice %arg3[%mul3A_2] : memref<204800xi32, #tpu.memory_space<hbm>> -> memref<6400xi32, #tpu.memory_space<hbm>>
      %dma_wait3A_289 = tpu.memref_slice %arg3[%mul3A_2] : memref<204800xi32, #tpu.memory_space<hbm>> -> memref<6400xi32, #tpu.memory_space<hbm>>
      tpu.wait_dma2 semaphore(%run_scoped3A : memref<!tpu.dma_semaphore, #tpu.memory_space<semaphore_mem>>) src(%dma_wait3A_289 : memref<6400xi32, #tpu.memory_space<hbm>>) dst(%arg5 : memref<6400xi32, #tpu.memory_space<vmem>>)
      tpu.yield
    }) : () -> ()
    %dma_start3A = arith.constant 0 : i32
    %dma_start3A_3 = arith.constant 0 : i32
    %dma_start3A_4 = tpu.memref_slice %arg6[%dma_start3A, %dma_start3A_3] : memref<640x128xf32, #tpu.memory_space<vmem>> -> memref<64x128xf32, #tpu.memory_space<vmem>>
    %dma_start3A_5 = arith.constant 0 : i32
    %dma_start3A_6 = tpu.memref_slice %arg5[%dma_start3A_5] : memref<6400xi32, #tpu.memory_space<vmem>> -> memref<64xi32, #tpu.memory_space<vmem>>
    %dma_start3A_7 = arith.constant 0 : i32
    %dma_start3A_8 = arith.constant 0 : i32
    %dma_start3A_9 = tpu.memref_slice %arg2[%dma_start3A_7, %dma_start3A_8] : memref<1000000x128xf32, #tpu.memory_space<hbm>> -> memref<1000000x128xf32, #tpu.memory_space<hbm>>
    tpu.enqueue_indirect_dma source(%dma_start3A_9 : memref<1000000x128xf32, #tpu.memory_space<hbm>>) target(%dma_start3A_4 : memref<64x128xf32, #tpu.memory_space<vmem>>) offsets(%dma_start3A_6 : memref<64xi32, #tpu.memory_space<vmem>>) semaphore(%arg7 : memref<!tpu.dma_semaphore, #tpu.memory_space<semaphore_mem>>)
    %dma_start3A_10 = arith.constant 64 : i32
    %dma_start3A_11 = arith.constant 0 : i32
    %dma_start3A_12 = tpu.memref_slice %arg6[%dma_start3A_10, %dma_start3A_11] : memref<640x128xf32, #tpu.memory_space<vmem>> -> memref<64x128xf32, #tpu.memory_space<vmem>>
    %dma_start3A_13 = arith.constant 64 : i32
    %dma_start3A_14 = tpu.memref_slice %arg5[%dma_start3A_13] : memref<6400xi32, #tpu.memory_space<vmem>> -> memref<64xi32, #tpu.memory_space<vmem>>
    %dma_start3A_15 = arith.constant 0 : i32
    %dma_start3A_16 = arith.constant 0 : i32
    %dma_start3A_17 = tpu.memref_slice %arg2[%dma_start3A_15, %dma_start3A_16] : memref<1000000x128xf32, #tpu.memory_space<hbm>> -> memref<1000000x128xf32, #tpu.memory_space<hbm>>
    tpu.enqueue_indirect_dma source(%dma_start3A_17 : memref<1000000x128xf32, #tpu.memory_space<hbm>>) target(%dma_start3A_12 : memref<64x128xf32, #tpu.memory_space<vmem>>) offsets(%dma_start3A_14 : memref<64xi32, #tpu.memory_space<vmem>>) semaphore(%arg8 : memref<!tpu.dma_semaphore, #tpu.memory_space<semaphore_mem>>)
    %dma_start3A_18 = arith.constant 128 : i32
    %dma_start3A_19 = arith.constant 0 : i32
    %dma_start3A_20 = tpu.memref_slice %arg6[%dma_start3A_18, %dma_start3A_19] : memref<640x128xf32, #tpu.memory_space<vmem>> -> memref<64x128xf32, #tpu.memory_space<vmem>>
    %dma_start3A_21 = arith.constant 128 : i32
    %dma_start3A_22 = tpu.memref_slice %arg5[%dma_start3A_21] : memref<6400xi32, #tpu.memory_space<vmem>> -> memref<64xi32, #tpu.memory_space<vmem>>
    %dma_start3A_23 = arith.constant 0 : i32
    %dma_start3A_24 = arith.constant 0 : i32
    %dma_start3A_25 = tpu.memref_slice %arg2[%dma_start3A_23, %dma_start3A_24] : memref<1000000x128xf32, #tpu.memory_space<hbm>> -> memref<1000000x128xf32, #tpu.memory_space<hbm>>
    tpu.enqueue_indirect_dma source(%dma_start3A_25 : memref<1000000x128xf32, #tpu.memory_space<hbm>>) target(%dma_start3A_20 : memref<64x128xf32, #tpu.memory_space<vmem>>) offsets(%dma_start3A_22 : memref<64xi32, #tpu.memory_space<vmem>>) semaphore(%arg9 : memref<!tpu.dma_semaphore, #tpu.memory_space<semaphore_mem>>)
    %dma_start3A_26 = arith.constant 192 : i32
    %dma_start3A_27 = arith.constant 0 : i32
    %dma_start3A_28 = tpu.memref_slice %arg6[%dma_start3A_26, %dma_start3A_27] : memref<640x128xf32, #tpu.memory_space<vmem>> -> memref<64x128xf32, #tpu.memory_space<vmem>>
    %dma_start3A_29 = arith.constant 192 : i32
    %dma_start3A_30 = tpu.memref_slice %arg5[%dma_start3A_29] : memref<6400xi32, #tpu.memory_space<vmem>> -> memref<64xi32, #tpu.memory_space<vmem>>
    %dma_start3A_31 = arith.constant 0 : i32
    %dma_start3A_32 = arith.constant 0 : i32
    %dma_start3A_33 = tpu.memref_slice %arg2[%dma_start3A_31, %dma_start3A_32] : memref<1000000x128xf32, #tpu.memory_space<hbm>> -> memref<1000000x128xf32, #tpu.memory_space<hbm>>
    tpu.enqueue_indirect_dma source(%dma_start3A_33 : memref<1000000x128xf32, #tpu.memory_space<hbm>>) target(%dma_start3A_28 : memref<64x128xf32, #tpu.memory_space<vmem>>) offsets(%dma_start3A_30 : memref<64xi32, #tpu.memory_space<vmem>>) semaphore(%arg10 : memref<!tpu.dma_semaphore, #tpu.memory_space<semaphore_mem>>)
    %dma_start3A_34 = arith.constant 256 : i32
    %dma_start3A_35 = arith.constant 0 : i32
    %dma_start3A_36 = tpu.memref_slice %arg6[%dma_start3A_34, %dma_start3A_35] : memref<640x128xf32, #tpu.memory_space<vmem>> -> memref<64x128xf32, #tpu.memory_space<vmem>>
    %dma_start3A_37 = arith.constant 256 : i32
    %dma_start3A_38 = tpu.memref_slice %arg5[%dma_start3A_37] : memref<6400xi32, #tpu.memory_space<vmem>> -> memref<64xi32, #tpu.memory_space<vmem>>
    %dma_start3A_39 = arith.constant 0 : i32
    %dma_start3A_40 = arith.constant 0 : i32
    %dma_start3A_41 = tpu.memref_slice %arg2[%dma_start3A_39, %dma_start3A_40] : memref<1000000x128xf32, #tpu.memory_space<hbm>> -> memref<1000000x128xf32, #tpu.memory_space<hbm>>
    tpu.enqueue_indirect_dma source(%dma_start3A_41 : memref<1000000x128xf32, #tpu.memory_space<hbm>>) target(%dma_start3A_36 : memref<64x128xf32, #tpu.memory_space<vmem>>) offsets(%dma_start3A_38 : memref<64xi32, #tpu.memory_space<vmem>>) semaphore(%arg11 : memref<!tpu.dma_semaphore, #tpu.memory_space<semaphore_mem>>)
    %dma_start3A_42 = arith.constant 320 : i32
    %dma_start3A_43 = arith.constant 0 : i32
    %dma_start3A_44 = tpu.memref_slice %arg6[%dma_start3A_42, %dma_start3A_43] : memref<640x128xf32, #tpu.memory_space<vmem>> -> memref<64x128xf32, #tpu.memory_space<vmem>>
    %dma_start3A_45 = arith.constant 320 : i32
    %dma_start3A_46 = tpu.memref_slice %arg5[%dma_start3A_45] : memref<6400xi32, #tpu.memory_space<vmem>> -> memref<64xi32, #tpu.memory_space<vmem>>
    %dma_start3A_47 = arith.constant 0 : i32
    %dma_start3A_48 = arith.constant 0 : i32
    %dma_start3A_49 = tpu.memref_slice %arg2[%dma_start3A_47, %dma_start3A_48] : memref<1000000x128xf32, #tpu.memory_space<hbm>> -> memref<1000000x128xf32, #tpu.memory_space<hbm>>
    tpu.enqueue_indirect_dma source(%dma_start3A_49 : memref<1000000x128xf32, #tpu.memory_space<hbm>>) target(%dma_start3A_44 : memref<64x128xf32, #tpu.memory_space<vmem>>) offsets(%dma_start3A_46 : memref<64xi32, #tpu.memory_space<vmem>>) semaphore(%arg12 : memref<!tpu.dma_semaphore, #tpu.memory_space<semaphore_mem>>)
    %dma_start3A_50 = arith.constant 384 : i32
    %dma_start3A_51 = arith.constant 0 : i32
    %dma_start3A_52 = tpu.memref_slice %arg6[%dma_start3A_50, %dma_start3A_51] : memref<640x128xf32, #tpu.memory_space<vmem>> -> memref<64x128xf32, #tpu.memory_space<vmem>>
    %dma_start3A_53 = arith.constant 384 : i32
    %dma_start3A_54 = tpu.memref_slice %arg5[%dma_start3A_53] : memref<6400xi32, #tpu.memory_space<vmem>> -> memref<64xi32, #tpu.memory_space<vmem>>
    %dma_start3A_55 = arith.constant 0 : i32
    %dma_start3A_56 = arith.constant 0 : i32
    %dma_start3A_57 = tpu.memref_slice %arg2[%dma_start3A_55, %dma_start3A_56] : memref<1000000x128xf32, #tpu.memory_space<hbm>> -> memref<1000000x128xf32, #tpu.memory_space<hbm>>
    tpu.enqueue_indirect_dma source(%dma_start3A_57 : memref<1000000x128xf32, #tpu.memory_space<hbm>>) target(%dma_start3A_52 : memref<64x128xf32, #tpu.memory_space<vmem>>) offsets(%dma_start3A_54 : memref<64xi32, #tpu.memory_space<vmem>>) semaphore(%arg13 : memref<!tpu.dma_semaphore, #tpu.memory_space<semaphore_mem>>)
    %dma_start3A_58 = arith.constant 448 : i32
    %dma_start3A_59 = arith.constant 0 : i32
    %dma_start3A_60 = tpu.memref_slice %arg6[%dma_start3A_58, %dma_start3A_59] : memref<640x128xf32, #tpu.memory_space<vmem>> -> memref<64x128xf32, #tpu.memory_space<vmem>>
    %dma_start3A_61 = arith.constant 448 : i32
    %dma_start3A_62 = tpu.memref_slice %arg5[%dma_start3A_61] : memref<6400xi32, #tpu.memory_space<vmem>> -> memref<64xi32, #tpu.memory_space<vmem>>
    %dma_start3A_63 = arith.constant 0 : i32
    %dma_start3A_64 = arith.constant 0 : i32
    %dma_start3A_65 = tpu.memref_slice %arg2[%dma_start3A_63, %dma_start3A_64] : memref<1000000x128xf32, #tpu.memory_space<hbm>> -> memref<1000000x128xf32, #tpu.memory_space<hbm>>
    tpu.enqueue_indirect_dma source(%dma_start3A_65 : memref<1000000x128xf32, #tpu.memory_space<hbm>>) target(%dma_start3A_60 : memref<64x128xf32, #tpu.memory_space<vmem>>) offsets(%dma_start3A_62 : memref<64xi32, #tpu.memory_space<vmem>>) semaphore(%arg14 : memref<!tpu.dma_semaphore, #tpu.memory_space<semaphore_mem>>)
    %dma_start3A_66 = arith.constant 512 : i32
    %dma_start3A_67 = arith.constant 0 : i32
    %dma_start3A_68 = tpu.memref_slice %arg6[%dma_start3A_66, %dma_start3A_67] : memref<640x128xf32, #tpu.memory_space<vmem>> -> memref<64x128xf32, #tpu.memory_space<vmem>>
    %dma_start3A_69 = arith.constant 512 : i32
    %dma_start3A_70 = tpu.memref_slice %arg5[%dma_start3A_69] : memref<6400xi32, #tpu.memory_space<vmem>> -> memref<64xi32, #tpu.memory_space<vmem>>
    %dma_start3A_71 = arith.constant 0 : i32
    %dma_start3A_72 = arith.constant 0 : i32
    %dma_start3A_73 = tpu.memref_slice %arg2[%dma_start3A_71, %dma_start3A_72] : memref<1000000x128xf32, #tpu.memory_space<hbm>> -> memref<1000000x128xf32, #tpu.memory_space<hbm>>
    tpu.enqueue_indirect_dma source(%dma_start3A_73 : memref<1000000x128xf32, #tpu.memory_space<hbm>>) target(%dma_start3A_68 : memref<64x128xf32, #tpu.memory_space<vmem>>) offsets(%dma_start3A_70 : memref<64xi32, #tpu.memory_space<vmem>>) semaphore(%arg15 : memref<!tpu.dma_semaphore, #tpu.memory_space<semaphore_mem>>)
    %dma_start3A_74 = arith.constant 576 : i32
    %dma_start3A_75 = arith.constant 0 : i32
    %dma_start3A_76 = tpu.memref_slice %arg6[%dma_start3A_74, %dma_start3A_75] : memref<640x128xf32, #tpu.memory_space<vmem>> -> memref<64x128xf32, #tpu.memory_space<vmem>>
    %dma_start3A_77 = arith.constant 576 : i32
    %dma_start3A_78 = tpu.memref_slice %arg5[%dma_start3A_77] : memref<6400xi32, #tpu.memory_space<vmem>> -> memref<64xi32, #tpu.memory_space<vmem>>
    %dma_start3A_79 = arith.constant 0 : i32
    %dma_start3A_80 = arith.constant 0 : i32
    %dma_start3A_81 = tpu.memref_slice %arg2[%dma_start3A_79, %dma_start3A_80] : memref<1000000x128xf32, #tpu.memory_space<hbm>> -> memref<1000000x128xf32, #tpu.memory_space<hbm>>
    tpu.enqueue_indirect_dma source(%dma_start3A_81 : memref<1000000x128xf32, #tpu.memory_space<hbm>>) target(%dma_start3A_76 : memref<64x128xf32, #tpu.memory_space<vmem>>) offsets(%dma_start3A_78 : memref<64xi32, #tpu.memory_space<vmem>>) semaphore(%arg16 : memref<!tpu.dma_semaphore, #tpu.memory_space<semaphore_mem>>)
    %scan3A = arith.constant 0 : i32
    %scan3A_82 = arith.constant 0 : i32
    %scan3A_83 = arith.constant 9 : i32
    %scan3A_84 = arith.addi %scan3A_82, %scan3A_83 : i32
    %scan3A_85 = arith.constant 1 : i32
    scf.for %scan3A_286 = %scan3A_82 to %scan3A_84 step %scan3A_85  : i32 {
      %mul3A_287 = arith.constant 10 : i32
      %mul3A_288 = arith.muli %scan3A_286, %mul3A_287 : i32
      %add3A_289 = arith.constant 0 : i32
      %add3A_290 = arith.addi %mul3A_288, %add3A_289 : i32
      %mul3A_291 = arith.constant 64 : i32
      %mul3A_292 = arith.muli %add3A_290, %mul3A_291 : i32
      %dma_wait3A_293 = arith.constant 0 : i32
      %dma_wait3A_294 = arith.constant 0 : i32
      %dma_wait3A_295 = tpu.memref_slice %arg6[%dma_wait3A_293, %dma_wait3A_294] : memref<640x128xf32, #tpu.memory_space<vmem>> -> memref<64x128xf32, #tpu.memory_space<vmem>>
      %dma_wait3A_296 = tpu.memref_slice %arg5[%mul3A_292] : memref<6400xi32, #tpu.memory_space<vmem>> -> memref<64xi32, #tpu.memory_space<vmem>>
      %dma_wait3A_297 = arith.constant 0 : i32
      %dma_wait3A_298 = arith.constant 0 : i32
      %dma_wait3A_299 = tpu.memref_slice %arg2[%dma_wait3A_297, %dma_wait3A_298] : memref<1000000x128xf32, #tpu.memory_space<hbm>> -> memref<1000000x128xf32, #tpu.memory_space<hbm>>
      tpu.wait_indirect_dma semaphore(%arg7 : memref<!tpu.dma_semaphore, #tpu.memory_space<semaphore_mem>>) src(%dma_wait3A_299 : memref<1000000x128xf32, #tpu.memory_space<hbm>>) dst(%dma_wait3A_295 : memref<64x128xf32, #tpu.memory_space<vmem>>)
      %add3A_300 = arith.constant 1 : i32
      %add3A_301 = arith.addi %mul3A_288, %add3A_300 : i32
      %mul3A_302 = arith.constant 64 : i32
      %mul3A_303 = arith.muli %add3A_301, %mul3A_302 : i32
      %dma_wait3A_304 = arith.constant 64 : i32
      %dma_wait3A_305 = arith.constant 0 : i32
      %dma_wait3A_306 = tpu.memref_slice %arg6[%dma_wait3A_304, %dma_wait3A_305] : memref<640x128xf32, #tpu.memory_space<vmem>> -> memref<64x128xf32, #tpu.memory_space<vmem>>
      %dma_wait3A_307 = tpu.memref_slice %arg5[%mul3A_303] : memref<6400xi32, #tpu.memory_space<vmem>> -> memref<64xi32, #tpu.memory_space<vmem>>
      %dma_wait3A_308 = arith.constant 0 : i32
      %dma_wait3A_309 = arith.constant 0 : i32
      %dma_wait3A_310 = tpu.memref_slice %arg2[%dma_wait3A_308, %dma_wait3A_309] : memref<1000000x128xf32, #tpu.memory_space<hbm>> -> memref<1000000x128xf32, #tpu.memory_space<hbm>>
      tpu.wait_indirect_dma semaphore(%arg8 : memref<!tpu.dma_semaphore, #tpu.memory_space<semaphore_mem>>) src(%dma_wait3A_310 : memref<1000000x128xf32, #tpu.memory_space<hbm>>) dst(%dma_wait3A_306 : memref<64x128xf32, #tpu.memory_space<vmem>>)
      %add3A_311 = arith.constant 0 : i32
      %add3A_312 = arith.addi %mul3A_288, %add3A_311 : i32
      %mul3A_313 = arith.constant 64 : i32
      %mul3A_314 = arith.muli %add3A_312, %mul3A_313 : i32
      %add3A_315 = arith.addi %mul3A_2, %mul3A_314 : i32
      %dma_start3A_316 = arith.constant 0 : i32
      %dma_start3A_317 = arith.constant 0 : i32
      %dma_start3A_318 = tpu.memref_slice %arg6[%dma_start3A_316, %dma_start3A_317] : memref<640x128xf32, #tpu.memory_space<vmem>> -> memref<128x128xf32, #tpu.memory_space<vmem>>
      %dma_start3A_319 = arith.constant 0 : i32
      %dma_start3A_320 = tpu.memref_slice %arg4[%add3A_315, %dma_start3A_319] : memref<204800x128xf32, #tpu.memory_space<hbm>> -> memref<128x128xf32, #tpu.memory_space<hbm>>
      %dma_start3A_321 = arith.constant 0 : i32
      %dma_start3A_322 = tpu.memref_slice %arg4[%add3A_315, %dma_start3A_321] : memref<204800x128xf32, #tpu.memory_space<hbm>> -> memref<128x128xf32, #tpu.memory_space<hbm>>
      %dma_start3A_323 = arith.constant 0 : i32
      %dma_start3A_324 = arith.constant 0 : i32
      %dma_start3A_325 = tpu.memref_slice %arg6[%dma_start3A_323, %dma_start3A_324] : memref<640x128xf32, #tpu.memory_space<vmem>> -> memref<128x128xf32, #tpu.memory_space<vmem>>
      tpu.enqueue_dma source(%dma_start3A_325 : memref<128x128xf32, #tpu.memory_space<vmem>>) target(%dma_start3A_322 : memref<128x128xf32, #tpu.memory_space<hbm>>) target_semaphore(%arg17 : memref<!tpu.dma_semaphore, #tpu.memory_space<semaphore_mem>>)
      %add3A_326 = arith.constant 2 : i32
      %add3A_327 = arith.addi %mul3A_288, %add3A_326 : i32
      %mul3A_328 = arith.constant 64 : i32
      %mul3A_329 = arith.muli %add3A_327, %mul3A_328 : i32
      %dma_wait3A_330 = arith.constant 128 : i32
      %dma_wait3A_331 = arith.constant 0 : i32
      %dma_wait3A_332 = tpu.memref_slice %arg6[%dma_wait3A_330, %dma_wait3A_331] : memref<640x128xf32, #tpu.memory_space<vmem>> -> memref<64x128xf32, #tpu.memory_space<vmem>>
      %dma_wait3A_333 = tpu.memref_slice %arg5[%mul3A_329] : memref<6400xi32, #tpu.memory_space<vmem>> -> memref<64xi32, #tpu.memory_space<vmem>>
      %dma_wait3A_334 = arith.constant 0 : i32
      %dma_wait3A_335 = arith.constant 0 : i32
      %dma_wait3A_336 = tpu.memref_slice %arg2[%dma_wait3A_334, %dma_wait3A_335] : memref<1000000x128xf32, #tpu.memory_space<hbm>> -> memref<1000000x128xf32, #tpu.memory_space<hbm>>
      tpu.wait_indirect_dma semaphore(%arg9 : memref<!tpu.dma_semaphore, #tpu.memory_space<semaphore_mem>>) src(%dma_wait3A_336 : memref<1000000x128xf32, #tpu.memory_space<hbm>>) dst(%dma_wait3A_332 : memref<64x128xf32, #tpu.memory_space<vmem>>)
      %add3A_337 = arith.constant 3 : i32
      %add3A_338 = arith.addi %mul3A_288, %add3A_337 : i32
      %mul3A_339 = arith.constant 64 : i32
      %mul3A_340 = arith.muli %add3A_338, %mul3A_339 : i32
      %dma_wait3A_341 = arith.constant 192 : i32
      %dma_wait3A_342 = arith.constant 0 : i32
      %dma_wait3A_343 = tpu.memref_slice %arg6[%dma_wait3A_341, %dma_wait3A_342] : memref<640x128xf32, #tpu.memory_space<vmem>> -> memref<64x128xf32, #tpu.memory_space<vmem>>
      %dma_wait3A_344 = tpu.memref_slice %arg5[%mul3A_340] : memref<6400xi32, #tpu.memory_space<vmem>> -> memref<64xi32, #tpu.memory_space<vmem>>
      %dma_wait3A_345 = arith.constant 0 : i32
      %dma_wait3A_346 = arith.constant 0 : i32
      %dma_wait3A_347 = tpu.memref_slice %arg2[%dma_wait3A_345, %dma_wait3A_346] : memref<1000000x128xf32, #tpu.memory_space<hbm>> -> memref<1000000x128xf32, #tpu.memory_space<hbm>>
      tpu.wait_indirect_dma semaphore(%arg10 : memref<!tpu.dma_semaphore, #tpu.memory_space<semaphore_mem>>) src(%dma_wait3A_347 : memref<1000000x128xf32, #tpu.memory_space<hbm>>) dst(%dma_wait3A_343 : memref<64x128xf32, #tpu.memory_space<vmem>>)
      %add3A_348 = arith.constant 2 : i32
      %add3A_349 = arith.addi %mul3A_288, %add3A_348 : i32
      %mul3A_350 = arith.constant 64 : i32
      %mul3A_351 = arith.muli %add3A_349, %mul3A_350 : i32
      %add3A_352 = arith.addi %mul3A_2, %mul3A_351 : i32
      %dma_start3A_353 = arith.constant 128 : i32
      %dma_start3A_354 = arith.constant 0 : i32
      %dma_start3A_355 = tpu.memref_slice %arg6[%dma_start3A_353, %dma_start3A_354] : memref<640x128xf32, #tpu.memory_space<vmem>> -> memref<128x128xf32, #tpu.memory_space<vmem>>
      %dma_start3A_356 = arith.constant 0 : i32
      %dma_start3A_357 = tpu.memref_slice %arg4[%add3A_352, %dma_start3A_356] : memref<204800x128xf32, #tpu.memory_space<hbm>> -> memref<128x128xf32, #tpu.memory_space<hbm>>
      %dma_start3A_358 = arith.constant 0 : i32
      %dma_start3A_359 = tpu.memref_slice %arg4[%add3A_352, %dma_start3A_358] : memref<204800x128xf32, #tpu.memory_space<hbm>> -> memref<128x128xf32, #tpu.memory_space<hbm>>
      %dma_start3A_360 = arith.constant 128 : i32
      %dma_start3A_361 = arith.constant 0 : i32
      %dma_start3A_362 = tpu.memref_slice %arg6[%dma_start3A_360, %dma_start3A_361] : memref<640x128xf32, #tpu.memory_space<vmem>> -> memref<128x128xf32, #tpu.memory_space<vmem>>
      tpu.enqueue_dma source(%dma_start3A_362 : memref<128x128xf32, #tpu.memory_space<vmem>>) target(%dma_start3A_359 : memref<128x128xf32, #tpu.memory_space<hbm>>) target_semaphore(%arg18 : memref<!tpu.dma_semaphore, #tpu.memory_space<semaphore_mem>>)
      %add3A_363 = arith.constant 4 : i32
      %add3A_364 = arith.addi %mul3A_288, %add3A_363 : i32
      %mul3A_365 = arith.constant 64 : i32
      %mul3A_366 = arith.muli %add3A_364, %mul3A_365 : i32
      %dma_wait3A_367 = arith.constant 256 : i32
      %dma_wait3A_368 = arith.constant 0 : i32
      %dma_wait3A_369 = tpu.memref_slice %arg6[%dma_wait3A_367, %dma_wait3A_368] : memref<640x128xf32, #tpu.memory_space<vmem>> -> memref<64x128xf32, #tpu.memory_space<vmem>>
      %dma_wait3A_370 = tpu.memref_slice %arg5[%mul3A_366] : memref<6400xi32, #tpu.memory_space<vmem>> -> memref<64xi32, #tpu.memory_space<vmem>>
      %dma_wait3A_371 = arith.constant 0 : i32
      %dma_wait3A_372 = arith.constant 0 : i32
      %dma_wait3A_373 = tpu.memref_slice %arg2[%dma_wait3A_371, %dma_wait3A_372] : memref<1000000x128xf32, #tpu.memory_space<hbm>> -> memref<1000000x128xf32, #tpu.memory_space<hbm>>
      tpu.wait_indirect_dma semaphore(%arg11 : memref<!tpu.dma_semaphore, #tpu.memory_space<semaphore_mem>>) src(%dma_wait3A_373 : memref<1000000x128xf32, #tpu.memory_space<hbm>>) dst(%dma_wait3A_369 : memref<64x128xf32, #tpu.memory_space<vmem>>)
      %add3A_374 = arith.constant 5 : i32
      %add3A_375 = arith.addi %mul3A_288, %add3A_374 : i32
      %mul3A_376 = arith.constant 64 : i32
      %mul3A_377 = arith.muli %add3A_375, %mul3A_376 : i32
      %dma_wait3A_378 = arith.constant 320 : i32
      %dma_wait3A_379 = arith.constant 0 : i32
      %dma_wait3A_380 = tpu.memref_slice %arg6[%dma_wait3A_378, %dma_wait3A_379] : memref<640x128xf32, #tpu.memory_space<vmem>> -> memref<64x128xf32, #tpu.memory_space<vmem>>
      %dma_wait3A_381 = tpu.memref_slice %arg5[%mul3A_377] : memref<6400xi32, #tpu.memory_space<vmem>> -> memref<64xi32, #tpu.memory_space<vmem>>
      %dma_wait3A_382 = arith.constant 0 : i32
      %dma_wait3A_383 = arith.constant 0 : i32
      %dma_wait3A_384 = tpu.memref_slice %arg2[%dma_wait3A_382, %dma_wait3A_383] : memref<1000000x128xf32, #tpu.memory_space<hbm>> -> memref<1000000x128xf32, #tpu.memory_space<hbm>>
      tpu.wait_indirect_dma semaphore(%arg12 : memref<!tpu.dma_semaphore, #tpu.memory_space<semaphore_mem>>) src(%dma_wait3A_384 : memref<1000000x128xf32, #tpu.memory_space<hbm>>) dst(%dma_wait3A_380 : memref<64x128xf32, #tpu.memory_space<vmem>>)
      %add3A_385 = arith.constant 4 : i32
      %add3A_386 = arith.addi %mul3A_288, %add3A_385 : i32
      %mul3A_387 = arith.constant 64 : i32
      %mul3A_388 = arith.muli %add3A_386, %mul3A_387 : i32
      %add3A_389 = arith.addi %mul3A_2, %mul3A_388 : i32
      %dma_start3A_390 = arith.constant 256 : i32
      %dma_start3A_391 = arith.constant 0 : i32
      %dma_start3A_392 = tpu.memref_slice %arg6[%dma_start3A_390, %dma_start3A_391] : memref<640x128xf32, #tpu.memory_space<vmem>> -> memref<128x128xf32, #tpu.memory_space<vmem>>
      %dma_start3A_393 = arith.constant 0 : i32
      %dma_start3A_394 = tpu.memref_slice %arg4[%add3A_389, %dma_start3A_393] : memref<204800x128xf32, #tpu.memory_space<hbm>> -> memref<128x128xf32, #tpu.memory_space<hbm>>
      %dma_start3A_395 = arith.constant 0 : i32
      %dma_start3A_396 = tpu.memref_slice %arg4[%add3A_389, %dma_start3A_395] : memref<204800x128xf32, #tpu.memory_space<hbm>> -> memref<128x128xf32, #tpu.memory_space<hbm>>
      %dma_start3A_397 = arith.constant 256 : i32
      %dma_start3A_398 = arith.constant 0 : i32
      %dma_start3A_399 = tpu.memref_slice %arg6[%dma_start3A_397, %dma_start3A_398] : memref<640x128xf32, #tpu.memory_space<vmem>> -> memref<128x128xf32, #tpu.memory_space<vmem>>
      tpu.enqueue_dma source(%dma_start3A_399 : memref<128x128xf32, #tpu.memory_space<vmem>>) target(%dma_start3A_396 : memref<128x128xf32, #tpu.memory_space<hbm>>) target_semaphore(%arg19 : memref<!tpu.dma_semaphore, #tpu.memory_space<semaphore_mem>>)
      %add3A_400 = arith.constant 6 : i32
      %add3A_401 = arith.addi %mul3A_288, %add3A_400 : i32
      %mul3A_402 = arith.constant 64 : i32
      %mul3A_403 = arith.muli %add3A_401, %mul3A_402 : i32
      %dma_wait3A_404 = arith.constant 384 : i32
      %dma_wait3A_405 = arith.constant 0 : i32
      %dma_wait3A_406 = tpu.memref_slice %arg6[%dma_wait3A_404, %dma_wait3A_405] : memref<640x128xf32, #tpu.memory_space<vmem>> -> memref<64x128xf32, #tpu.memory_space<vmem>>
      %dma_wait3A_407 = tpu.memref_slice %arg5[%mul3A_403] : memref<6400xi32, #tpu.memory_space<vmem>> -> memref<64xi32, #tpu.memory_space<vmem>>
      %dma_wait3A_408 = arith.constant 0 : i32
      %dma_wait3A_409 = arith.constant 0 : i32
      %dma_wait3A_410 = tpu.memref_slice %arg2[%dma_wait3A_408, %dma_wait3A_409] : memref<1000000x128xf32, #tpu.memory_space<hbm>> -> memref<1000000x128xf32, #tpu.memory_space<hbm>>
      tpu.wait_indirect_dma semaphore(%arg13 : memref<!tpu.dma_semaphore, #tpu.memory_space<semaphore_mem>>) src(%dma_wait3A_410 : memref<1000000x128xf32, #tpu.memory_space<hbm>>) dst(%dma_wait3A_406 : memref<64x128xf32, #tpu.memory_space<vmem>>)
      %add3A_411 = arith.constant 7 : i32
      %add3A_412 = arith.addi %mul3A_288, %add3A_411 : i32
      %mul3A_413 = arith.constant 64 : i32
      %mul3A_414 = arith.muli %add3A_412, %mul3A_413 : i32
      %dma_wait3A_415 = arith.constant 448 : i32
      %dma_wait3A_416 = arith.constant 0 : i32
      %dma_wait3A_417 = tpu.memref_slice %arg6[%dma_wait3A_415, %dma_wait3A_416] : memref<640x128xf32, #tpu.memory_space<vmem>> -> memref<64x128xf32, #tpu.memory_space<vmem>>
      %dma_wait3A_418 = tpu.memref_slice %arg5[%mul3A_414] : memref<6400xi32, #tpu.memory_space<vmem>> -> memref<64xi32, #tpu.memory_space<vmem>>
      %dma_wait3A_419 = arith.constant 0 : i32
      %dma_wait3A_420 = arith.constant 0 : i32
      %dma_wait3A_421 = tpu.memref_slice %arg2[%dma_wait3A_419, %dma_wait3A_420] : memref<1000000x128xf32, #tpu.memory_space<hbm>> -> memref<1000000x128xf32, #tpu.memory_space<hbm>>
      tpu.wait_indirect_dma semaphore(%arg14 : memref<!tpu.dma_semaphore, #tpu.memory_space<semaphore_mem>>) src(%dma_wait3A_421 : memref<1000000x128xf32, #tpu.memory_space<hbm>>) dst(%dma_wait3A_417 : memref<64x128xf32, #tpu.memory_space<vmem>>)
      %add3A_422 = arith.constant 6 : i32
      %add3A_423 = arith.addi %mul3A_288, %add3A_422 : i32
      %mul3A_424 = arith.constant 64 : i32
      %mul3A_425 = arith.muli %add3A_423, %mul3A_424 : i32
      %add3A_426 = arith.addi %mul3A_2, %mul3A_425 : i32
      %dma_start3A_427 = arith.constant 384 : i32
      %dma_start3A_428 = arith.constant 0 : i32
      %dma_start3A_429 = tpu.memref_slice %arg6[%dma_start3A_427, %dma_start3A_428] : memref<640x128xf32, #tpu.memory_space<vmem>> -> memref<128x128xf32, #tpu.memory_space<vmem>>
      %dma_start3A_430 = arith.constant 0 : i32
      %dma_start3A_431 = tpu.memref_slice %arg4[%add3A_426, %dma_start3A_430] : memref<204800x128xf32, #tpu.memory_space<hbm>> -> memref<128x128xf32, #tpu.memory_space<hbm>>
      %dma_start3A_432 = arith.constant 0 : i32
      %dma_start3A_433 = tpu.memref_slice %arg4[%add3A_426, %dma_start3A_432] : memref<204800x128xf32, #tpu.memory_space<hbm>> -> memref<128x128xf32, #tpu.memory_space<hbm>>
      %dma_start3A_434 = arith.constant 384 : i32
      %dma_start3A_435 = arith.constant 0 : i32
      %dma_start3A_436 = tpu.memref_slice %arg6[%dma_start3A_434, %dma_start3A_435] : memref<640x128xf32, #tpu.memory_space<vmem>> -> memref<128x128xf32, #tpu.memory_space<vmem>>
      tpu.enqueue_dma source(%dma_start3A_436 : memref<128x128xf32, #tpu.memory_space<vmem>>) target(%dma_start3A_433 : memref<128x128xf32, #tpu.memory_space<hbm>>) target_semaphore(%arg20 : memref<!tpu.dma_semaphore, #tpu.memory_space<semaphore_mem>>)
      %add3A_437 = arith.constant 8 : i32
      %add3A_438 = arith.addi %mul3A_288, %add3A_437 : i32
      %mul3A_439 = arith.constant 64 : i32
      %mul3A_440 = arith.muli %add3A_438, %mul3A_439 : i32
      %dma_wait3A_441 = arith.constant 512 : i32
      %dma_wait3A_442 = arith.constant 0 : i32
      %dma_wait3A_443 = tpu.memref_slice %arg6[%dma_wait3A_441, %dma_wait3A_442] : memref<640x128xf32, #tpu.memory_space<vmem>> -> memref<64x128xf32, #tpu.memory_space<vmem>>
      %dma_wait3A_444 = tpu.memref_slice %arg5[%mul3A_440] : memref<6400xi32, #tpu.memory_space<vmem>> -> memref<64xi32, #tpu.memory_space<vmem>>
      %dma_wait3A_445 = arith.constant 0 : i32
      %dma_wait3A_446 = arith.constant 0 : i32
      %dma_wait3A_447 = tpu.memref_slice %arg2[%dma_wait3A_445, %dma_wait3A_446] : memref<1000000x128xf32, #tpu.memory_space<hbm>> -> memref<1000000x128xf32, #tpu.memory_space<hbm>>
      tpu.wait_indirect_dma semaphore(%arg15 : memref<!tpu.dma_semaphore, #tpu.memory_space<semaphore_mem>>) src(%dma_wait3A_447 : memref<1000000x128xf32, #tpu.memory_space<hbm>>) dst(%dma_wait3A_443 : memref<64x128xf32, #tpu.memory_space<vmem>>)
      %add3A_448 = arith.constant 9 : i32
      %add3A_449 = arith.addi %mul3A_288, %add3A_448 : i32
      %mul3A_450 = arith.constant 64 : i32
      %mul3A_451 = arith.muli %add3A_449, %mul3A_450 : i32
      %dma_wait3A_452 = arith.constant 576 : i32
      %dma_wait3A_453 = arith.constant 0 : i32
      %dma_wait3A_454 = tpu.memref_slice %arg6[%dma_wait3A_452, %dma_wait3A_453] : memref<640x128xf32, #tpu.memory_space<vmem>> -> memref<64x128xf32, #tpu.memory_space<vmem>>
      %dma_wait3A_455 = tpu.memref_slice %arg5[%mul3A_451] : memref<6400xi32, #tpu.memory_space<vmem>> -> memref<64xi32, #tpu.memory_space<vmem>>
      %dma_wait3A_456 = arith.constant 0 : i32
      %dma_wait3A_457 = arith.constant 0 : i32
      %dma_wait3A_458 = tpu.memref_slice %arg2[%dma_wait3A_456, %dma_wait3A_457] : memref<1000000x128xf32, #tpu.memory_space<hbm>> -> memref<1000000x128xf32, #tpu.memory_space<hbm>>
      tpu.wait_indirect_dma semaphore(%arg16 : memref<!tpu.dma_semaphore, #tpu.memory_space<semaphore_mem>>) src(%dma_wait3A_458 : memref<1000000x128xf32, #tpu.memory_space<hbm>>) dst(%dma_wait3A_454 : memref<64x128xf32, #tpu.memory_space<vmem>>)
      %add3A_459 = arith.constant 8 : i32
      %add3A_460 = arith.addi %mul3A_288, %add3A_459 : i32
      %mul3A_461 = arith.constant 64 : i32
      %mul3A_462 = arith.muli %add3A_460, %mul3A_461 : i32
      %add3A_463 = arith.addi %mul3A_2, %mul3A_462 : i32
      %dma_start3A_464 = arith.constant 512 : i32
      %dma_start3A_465 = arith.constant 0 : i32
      %dma_start3A_466 = tpu.memref_slice %arg6[%dma_start3A_464, %dma_start3A_465] : memref<640x128xf32, #tpu.memory_space<vmem>> -> memref<128x128xf32, #tpu.memory_space<vmem>>
      %dma_start3A_467 = arith.constant 0 : i32
      %dma_start3A_468 = tpu.memref_slice %arg4[%add3A_463, %dma_start3A_467] : memref<204800x128xf32, #tpu.memory_space<hbm>> -> memref<128x128xf32, #tpu.memory_space<hbm>>
      %dma_start3A_469 = arith.constant 0 : i32
      %dma_start3A_470 = tpu.memref_slice %arg4[%add3A_463, %dma_start3A_469] : memref<204800x128xf32, #tpu.memory_space<hbm>> -> memref<128x128xf32, #tpu.memory_space<hbm>>
      %dma_start3A_471 = arith.constant 512 : i32
      %dma_start3A_472 = arith.constant 0 : i32
      %dma_start3A_473 = tpu.memref_slice %arg6[%dma_start3A_471, %dma_start3A_472] : memref<640x128xf32, #tpu.memory_space<vmem>> -> memref<128x128xf32, #tpu.memory_space<vmem>>
      tpu.enqueue_dma source(%dma_start3A_473 : memref<128x128xf32, #tpu.memory_space<vmem>>) target(%dma_start3A_470 : memref<128x128xf32, #tpu.memory_space<hbm>>) target_semaphore(%arg21 : memref<!tpu.dma_semaphore, #tpu.memory_space<semaphore_mem>>)
      %add3A_474 = arith.constant 0 : i32
      %add3A_475 = arith.addi %mul3A_288, %add3A_474 : i32
      %mul3A_476 = arith.constant 64 : i32
      %mul3A_477 = arith.muli %add3A_475, %mul3A_476 : i32
      %add3A_478 = arith.addi %mul3A_2, %mul3A_477 : i32
      %dma_wait3A_479 = arith.constant 0 : i32
      %dma_wait3A_480 = arith.constant 0 : i32
      %dma_wait3A_481 = tpu.memref_slice %arg6[%dma_wait3A_479, %dma_wait3A_480] : memref<640x128xf32, #tpu.memory_space<vmem>> -> memref<128x128xf32, #tpu.memory_space<vmem>>
      %dma_wait3A_482 = arith.constant 0 : i32
      %dma_wait3A_483 = tpu.memref_slice %arg4[%add3A_478, %dma_wait3A_482] : memref<204800x128xf32, #tpu.memory_space<hbm>> -> memref<128x128xf32, #tpu.memory_space<hbm>>
      %dma_wait3A_484 = arith.constant 0 : i32
      %dma_wait3A_485 = tpu.memref_slice %arg4[%add3A_478, %dma_wait3A_484] : memref<204800x128xf32, #tpu.memory_space<hbm>> -> memref<128x128xf32, #tpu.memory_space<hbm>>
      %dma_wait3A_486 = arith.constant 0 : i32
      %dma_wait3A_487 = arith.constant 0 : i32
      %dma_wait3A_488 = tpu.memref_slice %arg6[%dma_wait3A_486, %dma_wait3A_487] : memref<640x128xf32, #tpu.memory_space<vmem>> -> memref<128x128xf32, #tpu.memory_space<vmem>>
      tpu.wait_dma2 semaphore(%arg17 : memref<!tpu.dma_semaphore, #tpu.memory_space<semaphore_mem>>) src(%dma_wait3A_488 : memref<128x128xf32, #tpu.memory_space<vmem>>) dst(%dma_wait3A_485 : memref<128x128xf32, #tpu.memory_space<hbm>>)
      %add3A_489 = arith.constant 10 : i32
      %add3A_490 = arith.addi %mul3A_288, %add3A_489 : i32
      %add3A_491 = arith.constant 0 : i32
      %add3A_492 = arith.addi %add3A_490, %add3A_491 : i32
      %mul3A_493 = arith.constant 64 : i32
      %mul3A_494 = arith.muli %add3A_492, %mul3A_493 : i32
      %dma_start3A_495 = arith.constant 0 : i32
      %dma_start3A_496 = arith.constant 0 : i32
      %dma_start3A_497 = tpu.memref_slice %arg6[%dma_start3A_495, %dma_start3A_496] : memref<640x128xf32, #tpu.memory_space<vmem>> -> memref<64x128xf32, #tpu.memory_space<vmem>>
      %dma_start3A_498 = tpu.memref_slice %arg5[%mul3A_494] : memref<6400xi32, #tpu.memory_space<vmem>> -> memref<64xi32, #tpu.memory_space<vmem>>
      %dma_start3A_499 = arith.constant 0 : i32
      %dma_start3A_500 = arith.constant 0 : i32
      %dma_start3A_501 = tpu.memref_slice %arg2[%dma_start3A_499, %dma_start3A_500] : memref<1000000x128xf32, #tpu.memory_space<hbm>> -> memref<1000000x128xf32, #tpu.memory_space<hbm>>
      tpu.enqueue_indirect_dma source(%dma_start3A_501 : memref<1000000x128xf32, #tpu.memory_space<hbm>>) target(%dma_start3A_497 : memref<64x128xf32, #tpu.memory_space<vmem>>) offsets(%dma_start3A_498 : memref<64xi32, #tpu.memory_space<vmem>>) semaphore(%arg7 : memref<!tpu.dma_semaphore, #tpu.memory_space<semaphore_mem>>)
      %add3A_502 = arith.constant 10 : i32
      %add3A_503 = arith.addi %mul3A_288, %add3A_502 : i32
      %add3A_504 = arith.constant 1 : i32
      %add3A_505 = arith.addi %add3A_503, %add3A_504 : i32
      %mul3A_506 = arith.constant 64 : i32
      %mul3A_507 = arith.muli %add3A_505, %mul3A_506 : i32
      %dma_start3A_508 = arith.constant 64 : i32
      %dma_start3A_509 = arith.constant 0 : i32
      %dma_start3A_510 = tpu.memref_slice %arg6[%dma_start3A_508, %dma_start3A_509] : memref<640x128xf32, #tpu.memory_space<vmem>> -> memref<64x128xf32, #tpu.memory_space<vmem>>
      %dma_start3A_511 = tpu.memref_slice %arg5[%mul3A_507] : memref<6400xi32, #tpu.memory_space<vmem>> -> memref<64xi32, #tpu.memory_space<vmem>>
      %dma_start3A_512 = arith.constant 0 : i32
      %dma_start3A_513 = arith.constant 0 : i32
      %dma_start3A_514 = tpu.memref_slice %arg2[%dma_start3A_512, %dma_start3A_513] : memref<1000000x128xf32, #tpu.memory_space<hbm>> -> memref<1000000x128xf32, #tpu.memory_space<hbm>>
      tpu.enqueue_indirect_dma source(%dma_start3A_514 : memref<1000000x128xf32, #tpu.memory_space<hbm>>) target(%dma_start3A_510 : memref<64x128xf32, #tpu.memory_space<vmem>>) offsets(%dma_start3A_511 : memref<64xi32, #tpu.memory_space<vmem>>) semaphore(%arg8 : memref<!tpu.dma_semaphore, #tpu.memory_space<semaphore_mem>>)
      %add3A_515 = arith.constant 2 : i32
      %add3A_516 = arith.addi %mul3A_288, %add3A_515 : i32
      %mul3A_517 = arith.constant 64 : i32
      %mul3A_518 = arith.muli %add3A_516, %mul3A_517 : i32
      %add3A_519 = arith.addi %mul3A_2, %mul3A_518 : i32
      %dma_wait3A_520 = arith.constant 128 : i32
      %dma_wait3A_521 = arith.constant 0 : i32
      %dma_wait3A_522 = tpu.memref_slice %arg6[%dma_wait3A_520, %dma_wait3A_521] : memref<640x128xf32, #tpu.memory_space<vmem>> -> memref<128x128xf32, #tpu.memory_space<vmem>>
      %dma_wait3A_523 = arith.constant 0 : i32
      %dma_wait3A_524 = tpu.memref_slice %arg4[%add3A_519, %dma_wait3A_523] : memref<204800x128xf32, #tpu.memory_space<hbm>> -> memref<128x128xf32, #tpu.memory_space<hbm>>
      %dma_wait3A_525 = arith.constant 0 : i32
      %dma_wait3A_526 = tpu.memref_slice %arg4[%add3A_519, %dma_wait3A_525] : memref<204800x128xf32, #tpu.memory_space<hbm>> -> memref<128x128xf32, #tpu.memory_space<hbm>>
      %dma_wait3A_527 = arith.constant 128 : i32
      %dma_wait3A_528 = arith.constant 0 : i32
      %dma_wait3A_529 = tpu.memref_slice %arg6[%dma_wait3A_527, %dma_wait3A_528] : memref<640x128xf32, #tpu.memory_space<vmem>> -> memref<128x128xf32, #tpu.memory_space<vmem>>
      tpu.wait_dma2 semaphore(%arg18 : memref<!tpu.dma_semaphore, #tpu.memory_space<semaphore_mem>>) src(%dma_wait3A_529 : memref<128x128xf32, #tpu.memory_space<vmem>>) dst(%dma_wait3A_526 : memref<128x128xf32, #tpu.memory_space<hbm>>)
      %add3A_530 = arith.constant 10 : i32
      %add3A_531 = arith.addi %mul3A_288, %add3A_530 : i32
      %add3A_532 = arith.constant 2 : i32
      %add3A_533 = arith.addi %add3A_531, %add3A_532 : i32
      %mul3A_534 = arith.constant 64 : i32
      %mul3A_535 = arith.muli %add3A_533, %mul3A_534 : i32
      %dma_start3A_536 = arith.constant 128 : i32
      %dma_start3A_537 = arith.constant 0 : i32
      %dma_start3A_538 = tpu.memref_slice %arg6[%dma_start3A_536, %dma_start3A_537] : memref<640x128xf32, #tpu.memory_space<vmem>> -> memref<64x128xf32, #tpu.memory_space<vmem>>
      %dma_start3A_539 = tpu.memref_slice %arg5[%mul3A_535] : memref<6400xi32, #tpu.memory_space<vmem>> -> memref<64xi32, #tpu.memory_space<vmem>>
      %dma_start3A_540 = arith.constant 0 : i32
      %dma_start3A_541 = arith.constant 0 : i32
      %dma_start3A_542 = tpu.memref_slice %arg2[%dma_start3A_540, %dma_start3A_541] : memref<1000000x128xf32, #tpu.memory_space<hbm>> -> memref<1000000x128xf32, #tpu.memory_space<hbm>>
      tpu.enqueue_indirect_dma source(%dma_start3A_542 : memref<1000000x128xf32, #tpu.memory_space<hbm>>) target(%dma_start3A_538 : memref<64x128xf32, #tpu.memory_space<vmem>>) offsets(%dma_start3A_539 : memref<64xi32, #tpu.memory_space<vmem>>) semaphore(%arg9 : memref<!tpu.dma_semaphore, #tpu.memory_space<semaphore_mem>>)
      %add3A_543 = arith.constant 10 : i32
      %add3A_544 = arith.addi %mul3A_288, %add3A_543 : i32
      %add3A_545 = arith.constant 3 : i32
      %add3A_546 = arith.addi %add3A_544, %add3A_545 : i32
      %mul3A_547 = arith.constant 64 : i32
      %mul3A_548 = arith.muli %add3A_546, %mul3A_547 : i32
      %dma_start3A_549 = arith.constant 192 : i32
      %dma_start3A_550 = arith.constant 0 : i32
      %dma_start3A_551 = tpu.memref_slice %arg6[%dma_start3A_549, %dma_start3A_550] : memref<640x128xf32, #tpu.memory_space<vmem>> -> memref<64x128xf32, #tpu.memory_space<vmem>>
      %dma_start3A_552 = tpu.memref_slice %arg5[%mul3A_548] : memref<6400xi32, #tpu.memory_space<vmem>> -> memref<64xi32, #tpu.memory_space<vmem>>
      %dma_start3A_553 = arith.constant 0 : i32
      %dma_start3A_554 = arith.constant 0 : i32
      %dma_start3A_555 = tpu.memref_slice %arg2[%dma_start3A_553, %dma_start3A_554] : memref<1000000x128xf32, #tpu.memory_space<hbm>> -> memref<1000000x128xf32, #tpu.memory_space<hbm>>
      tpu.enqueue_indirect_dma source(%dma_start3A_555 : memref<1000000x128xf32, #tpu.memory_space<hbm>>) target(%dma_start3A_551 : memref<64x128xf32, #tpu.memory_space<vmem>>) offsets(%dma_start3A_552 : memref<64xi32, #tpu.memory_space<vmem>>) semaphore(%arg10 : memref<!tpu.dma_semaphore, #tpu.memory_space<semaphore_mem>>)
      %add3A_556 = arith.constant 4 : i32
      %add3A_557 = arith.addi %mul3A_288, %add3A_556 : i32
      %mul3A_558 = arith.constant 64 : i32
      %mul3A_559 = arith.muli %add3A_557, %mul3A_558 : i32
      %add3A_560 = arith.addi %mul3A_2, %mul3A_559 : i32
      %dma_wait3A_561 = arith.constant 256 : i32
      %dma_wait3A_562 = arith.constant 0 : i32
      %dma_wait3A_563 = tpu.memref_slice %arg6[%dma_wait3A_561, %dma_wait3A_562] : memref<640x128xf32, #tpu.memory_space<vmem>> -> memref<128x128xf32, #tpu.memory_space<vmem>>
      %dma_wait3A_564 = arith.constant 0 : i32
      %dma_wait3A_565 = tpu.memref_slice %arg4[%add3A_560, %dma_wait3A_564] : memref<204800x128xf32, #tpu.memory_space<hbm>> -> memref<128x128xf32, #tpu.memory_space<hbm>>
      %dma_wait3A_566 = arith.constant 0 : i32
      %dma_wait3A_567 = tpu.memref_slice %arg4[%add3A_560, %dma_wait3A_566] : memref<204800x128xf32, #tpu.memory_space<hbm>> -> memref<128x128xf32, #tpu.memory_space<hbm>>
      %dma_wait3A_568 = arith.constant 256 : i32
      %dma_wait3A_569 = arith.constant 0 : i32
      %dma_wait3A_570 = tpu.memref_slice %arg6[%dma_wait3A_568, %dma_wait3A_569] : memref<640x128xf32, #tpu.memory_space<vmem>> -> memref<128x128xf32, #tpu.memory_space<vmem>>
      tpu.wait_dma2 semaphore(%arg19 : memref<!tpu.dma_semaphore, #tpu.memory_space<semaphore_mem>>) src(%dma_wait3A_570 : memref<128x128xf32, #tpu.memory_space<vmem>>) dst(%dma_wait3A_567 : memref<128x128xf32, #tpu.memory_space<hbm>>)
      %add3A_571 = arith.constant 10 : i32
      %add3A_572 = arith.addi %mul3A_288, %add3A_571 : i32
      %add3A_573 = arith.constant 4 : i32
      %add3A_574 = arith.addi %add3A_572, %add3A_573 : i32
      %mul3A_575 = arith.constant 64 : i32
      %mul3A_576 = arith.muli %add3A_574, %mul3A_575 : i32
      %dma_start3A_577 = arith.constant 256 : i32
      %dma_start3A_578 = arith.constant 0 : i32
      %dma_start3A_579 = tpu.memref_slice %arg6[%dma_start3A_577, %dma_start3A_578] : memref<640x128xf32, #tpu.memory_space<vmem>> -> memref<64x128xf32, #tpu.memory_space<vmem>>
      %dma_start3A_580 = tpu.memref_slice %arg5[%mul3A_576] : memref<6400xi32, #tpu.memory_space<vmem>> -> memref<64xi32, #tpu.memory_space<vmem>>
      %dma_start3A_581 = arith.constant 0 : i32
      %dma_start3A_582 = arith.constant 0 : i32
      %dma_start3A_583 = tpu.memref_slice %arg2[%dma_start3A_581, %dma_start3A_582] : memref<1000000x128xf32, #tpu.memory_space<hbm>> -> memref<1000000x128xf32, #tpu.memory_space<hbm>>
      tpu.enqueue_indirect_dma source(%dma_start3A_583 : memref<1000000x128xf32, #tpu.memory_space<hbm>>) target(%dma_start3A_579 : memref<64x128xf32, #tpu.memory_space<vmem>>) offsets(%dma_start3A_580 : memref<64xi32, #tpu.memory_space<vmem>>) semaphore(%arg11 : memref<!tpu.dma_semaphore, #tpu.memory_space<semaphore_mem>>)
      %add3A_584 = arith.constant 10 : i32
      %add3A_585 = arith.addi %mul3A_288, %add3A_584 : i32
      %add3A_586 = arith.constant 5 : i32
      %add3A_587 = arith.addi %add3A_585, %add3A_586 : i32
      %mul3A_588 = arith.constant 64 : i32
      %mul3A_589 = arith.muli %add3A_587, %mul3A_588 : i32
      %dma_start3A_590 = arith.constant 320 : i32
      %dma_start3A_591 = arith.constant 0 : i32
      %dma_start3A_592 = tpu.memref_slice %arg6[%dma_start3A_590, %dma_start3A_591] : memref<640x128xf32, #tpu.memory_space<vmem>> -> memref<64x128xf32, #tpu.memory_space<vmem>>
      %dma_start3A_593 = tpu.memref_slice %arg5[%mul3A_589] : memref<6400xi32, #tpu.memory_space<vmem>> -> memref<64xi32, #tpu.memory_space<vmem>>
      %dma_start3A_594 = arith.constant 0 : i32
      %dma_start3A_595 = arith.constant 0 : i32
      %dma_start3A_596 = tpu.memref_slice %arg2[%dma_start3A_594, %dma_start3A_595] : memref<1000000x128xf32, #tpu.memory_space<hbm>> -> memref<1000000x128xf32, #tpu.memory_space<hbm>>
      tpu.enqueue_indirect_dma source(%dma_start3A_596 : memref<1000000x128xf32, #tpu.memory_space<hbm>>) target(%dma_start3A_592 : memref<64x128xf32, #tpu.memory_space<vmem>>) offsets(%dma_start3A_593 : memref<64xi32, #tpu.memory_space<vmem>>) semaphore(%arg12 : memref<!tpu.dma_semaphore, #tpu.memory_space<semaphore_mem>>)
      %add3A_597 = arith.constant 6 : i32
      %add3A_598 = arith.addi %mul3A_288, %add3A_597 : i32
      %mul3A_599 = arith.constant 64 : i32
      %mul3A_600 = arith.muli %add3A_598, %mul3A_599 : i32
      %add3A_601 = arith.addi %mul3A_2, %mul3A_600 : i32
      %dma_wait3A_602 = arith.constant 384 : i32
      %dma_wait3A_603 = arith.constant 0 : i32
      %dma_wait3A_604 = tpu.memref_slice %arg6[%dma_wait3A_602, %dma_wait3A_603] : memref<640x128xf32, #tpu.memory_space<vmem>> -> memref<128x128xf32, #tpu.memory_space<vmem>>
      %dma_wait3A_605 = arith.constant 0 : i32
      %dma_wait3A_606 = tpu.memref_slice %arg4[%add3A_601, %dma_wait3A_605] : memref<204800x128xf32, #tpu.memory_space<hbm>> -> memref<128x128xf32, #tpu.memory_space<hbm>>
      %dma_wait3A_607 = arith.constant 0 : i32
      %dma_wait3A_608 = tpu.memref_slice %arg4[%add3A_601, %dma_wait3A_607] : memref<204800x128xf32, #tpu.memory_space<hbm>> -> memref<128x128xf32, #tpu.memory_space<hbm>>
      %dma_wait3A_609 = arith.constant 384 : i32
      %dma_wait3A_610 = arith.constant 0 : i32
      %dma_wait3A_611 = tpu.memref_slice %arg6[%dma_wait3A_609, %dma_wait3A_610] : memref<640x128xf32, #tpu.memory_space<vmem>> -> memref<128x128xf32, #tpu.memory_space<vmem>>
      tpu.wait_dma2 semaphore(%arg20 : memref<!tpu.dma_semaphore, #tpu.memory_space<semaphore_mem>>) src(%dma_wait3A_611 : memref<128x128xf32, #tpu.memory_space<vmem>>) dst(%dma_wait3A_608 : memref<128x128xf32, #tpu.memory_space<hbm>>)
      %add3A_612 = arith.constant 10 : i32
      %add3A_613 = arith.addi %mul3A_288, %add3A_612 : i32
      %add3A_614 = arith.constant 6 : i32
      %add3A_615 = arith.addi %add3A_613, %add3A_614 : i32
      %mul3A_616 = arith.constant 64 : i32
      %mul3A_617 = arith.muli %add3A_615, %mul3A_616 : i32
      %dma_start3A_618 = arith.constant 384 : i32
      %dma_start3A_619 = arith.constant 0 : i32
      %dma_start3A_620 = tpu.memref_slice %arg6[%dma_start3A_618, %dma_start3A_619] : memref<640x128xf32, #tpu.memory_space<vmem>> -> memref<64x128xf32, #tpu.memory_space<vmem>>
      %dma_start3A_621 = tpu.memref_slice %arg5[%mul3A_617] : memref<6400xi32, #tpu.memory_space<vmem>> -> memref<64xi32, #tpu.memory_space<vmem>>
      %dma_start3A_622 = arith.constant 0 : i32
      %dma_start3A_623 = arith.constant 0 : i32
      %dma_start3A_624 = tpu.memref_slice %arg2[%dma_start3A_622, %dma_start3A_623] : memref<1000000x128xf32, #tpu.memory_space<hbm>> -> memref<1000000x128xf32, #tpu.memory_space<hbm>>
      tpu.enqueue_indirect_dma source(%dma_start3A_624 : memref<1000000x128xf32, #tpu.memory_space<hbm>>) target(%dma_start3A_620 : memref<64x128xf32, #tpu.memory_space<vmem>>) offsets(%dma_start3A_621 : memref<64xi32, #tpu.memory_space<vmem>>) semaphore(%arg13 : memref<!tpu.dma_semaphore, #tpu.memory_space<semaphore_mem>>)
      %add3A_625 = arith.constant 10 : i32
      %add3A_626 = arith.addi %mul3A_288, %add3A_625 : i32
      %add3A_627 = arith.constant 7 : i32
      %add3A_628 = arith.addi %add3A_626, %add3A_627 : i32
      %mul3A_629 = arith.constant 64 : i32
      %mul3A_630 = arith.muli %add3A_628, %mul3A_629 : i32
      %dma_start3A_631 = arith.constant 448 : i32
      %dma_start3A_632 = arith.constant 0 : i32
      %dma_start3A_633 = tpu.memref_slice %arg6[%dma_start3A_631, %dma_start3A_632] : memref<640x128xf32, #tpu.memory_space<vmem>> -> memref<64x128xf32, #tpu.memory_space<vmem>>
      %dma_start3A_634 = tpu.memref_slice %arg5[%mul3A_630] : memref<6400xi32, #tpu.memory_space<vmem>> -> memref<64xi32, #tpu.memory_space<vmem>>
      %dma_start3A_635 = arith.constant 0 : i32
      %dma_start3A_636 = arith.constant 0 : i32
      %dma_start3A_637 = tpu.memref_slice %arg2[%dma_start3A_635, %dma_start3A_636] : memref<1000000x128xf32, #tpu.memory_space<hbm>> -> memref<1000000x128xf32, #tpu.memory_space<hbm>>
      tpu.enqueue_indirect_dma source(%dma_start3A_637 : memref<1000000x128xf32, #tpu.memory_space<hbm>>) target(%dma_start3A_633 : memref<64x128xf32, #tpu.memory_space<vmem>>) offsets(%dma_start3A_634 : memref<64xi32, #tpu.memory_space<vmem>>) semaphore(%arg14 : memref<!tpu.dma_semaphore, #tpu.memory_space<semaphore_mem>>)
      %add3A_638 = arith.constant 8 : i32
      %add3A_639 = arith.addi %mul3A_288, %add3A_638 : i32
      %mul3A_640 = arith.constant 64 : i32
      %mul3A_641 = arith.muli %add3A_639, %mul3A_640 : i32
      %add3A_642 = arith.addi %mul3A_2, %mul3A_641 : i32
      %dma_wait3A_643 = arith.constant 512 : i32
      %dma_wait3A_644 = arith.constant 0 : i32
      %dma_wait3A_645 = tpu.memref_slice %arg6[%dma_wait3A_643, %dma_wait3A_644] : memref<640x128xf32, #tpu.memory_space<vmem>> -> memref<128x128xf32, #tpu.memory_space<vmem>>
      %dma_wait3A_646 = arith.constant 0 : i32
      %dma_wait3A_647 = tpu.memref_slice %arg4[%add3A_642, %dma_wait3A_646] : memref<204800x128xf32, #tpu.memory_space<hbm>> -> memref<128x128xf32, #tpu.memory_space<hbm>>
      %dma_wait3A_648 = arith.constant 0 : i32
      %dma_wait3A_649 = tpu.memref_slice %arg4[%add3A_642, %dma_wait3A_648] : memref<204800x128xf32, #tpu.memory_space<hbm>> -> memref<128x128xf32, #tpu.memory_space<hbm>>
      %dma_wait3A_650 = arith.constant 512 : i32
      %dma_wait3A_651 = arith.constant 0 : i32
      %dma_wait3A_652 = tpu.memref_slice %arg6[%dma_wait3A_650, %dma_wait3A_651] : memref<640x128xf32, #tpu.memory_space<vmem>> -> memref<128x128xf32, #tpu.memory_space<vmem>>
      tpu.wait_dma2 semaphore(%arg21 : memref<!tpu.dma_semaphore, #tpu.memory_space<semaphore_mem>>) src(%dma_wait3A_652 : memref<128x128xf32, #tpu.memory_space<vmem>>) dst(%dma_wait3A_649 : memref<128x128xf32, #tpu.memory_space<hbm>>)
      %add3A_653 = arith.constant 10 : i32
      %add3A_654 = arith.addi %mul3A_288, %add3A_653 : i32
      %add3A_655 = arith.constant 8 : i32
      %add3A_656 = arith.addi %add3A_654, %add3A_655 : i32
      %mul3A_657 = arith.constant 64 : i32
      %mul3A_658 = arith.muli %add3A_656, %mul3A_657 : i32
      %dma_start3A_659 = arith.constant 512 : i32
      %dma_start3A_660 = arith.constant 0 : i32
      %dma_start3A_661 = tpu.memref_slice %arg6[%dma_start3A_659, %dma_start3A_660] : memref<640x128xf32, #tpu.memory_space<vmem>> -> memref<64x128xf32, #tpu.memory_space<vmem>>
      %dma_start3A_662 = tpu.memref_slice %arg5[%mul3A_658] : memref<6400xi32, #tpu.memory_space<vmem>> -> memref<64xi32, #tpu.memory_space<vmem>>
      %dma_start3A_663 = arith.constant 0 : i32
      %dma_start3A_664 = arith.constant 0 : i32
      %dma_start3A_665 = tpu.memref_slice %arg2[%dma_start3A_663, %dma_start3A_664] : memref<1000000x128xf32, #tpu.memory_space<hbm>> -> memref<1000000x128xf32, #tpu.memory_space<hbm>>
      tpu.enqueue_indirect_dma source(%dma_start3A_665 : memref<1000000x128xf32, #tpu.memory_space<hbm>>) target(%dma_start3A_661 : memref<64x128xf32, #tpu.memory_space<vmem>>) offsets(%dma_start3A_662 : memref<64xi32, #tpu.memory_space<vmem>>) semaphore(%arg15 : memref<!tpu.dma_semaphore, #tpu.memory_space<semaphore_mem>>)
      %add3A_666 = arith.constant 10 : i32
      %add3A_667 = arith.addi %mul3A_288, %add3A_666 : i32
      %add3A_668 = arith.constant 9 : i32
      %add3A_669 = arith.addi %add3A_667, %add3A_668 : i32
      %mul3A_670 = arith.constant 64 : i32
      %mul3A_671 = arith.muli %add3A_669, %mul3A_670 : i32
      %dma_start3A_672 = arith.constant 576 : i32
      %dma_start3A_673 = arith.constant 0 : i32
      %dma_start3A_674 = tpu.memref_slice %arg6[%dma_start3A_672, %dma_start3A_673] : memref<640x128xf32, #tpu.memory_space<vmem>> -> memref<64x128xf32, #tpu.memory_space<vmem>>
      %dma_start3A_675 = tpu.memref_slice %arg5[%mul3A_671] : memref<6400xi32, #tpu.memory_space<vmem>> -> memref<64xi32, #tpu.memory_space<vmem>>
      %dma_start3A_676 = arith.constant 0 : i32
      %dma_start3A_677 = arith.constant 0 : i32
      %dma_start3A_678 = tpu.memref_slice %arg2[%dma_start3A_676, %dma_start3A_677] : memref<1000000x128xf32, #tpu.memory_space<hbm>> -> memref<1000000x128xf32, #tpu.memory_space<hbm>>
      tpu.enqueue_indirect_dma source(%dma_start3A_678 : memref<1000000x128xf32, #tpu.memory_space<hbm>>) target(%dma_start3A_674 : memref<64x128xf32, #tpu.memory_space<vmem>>) offsets(%dma_start3A_675 : memref<64xi32, #tpu.memory_space<vmem>>) semaphore(%arg16 : memref<!tpu.dma_semaphore, #tpu.memory_space<semaphore_mem>>)
    }
    %scan3A_86 = arith.constant 9 : i32
    %dma_wait3A = arith.constant 0 : i32
    %dma_wait3A_87 = arith.constant 0 : i32
    %dma_wait3A_88 = tpu.memref_slice %arg6[%dma_wait3A, %dma_wait3A_87] : memref<640x128xf32, #tpu.memory_space<vmem>> -> memref<64x128xf32, #tpu.memory_space<vmem>>
    %dma_wait3A_89 = arith.constant 5760 : i32
    %dma_wait3A_90 = tpu.memref_slice %arg5[%dma_wait3A_89] : memref<6400xi32, #tpu.memory_space<vmem>> -> memref<64xi32, #tpu.memory_space<vmem>>
    %dma_wait3A_91 = arith.constant 0 : i32
    %dma_wait3A_92 = arith.constant 0 : i32
    %dma_wait3A_93 = tpu.memref_slice %arg2[%dma_wait3A_91, %dma_wait3A_92] : memref<1000000x128xf32, #tpu.memory_space<hbm>> -> memref<1000000x128xf32, #tpu.memory_space<hbm>>
    tpu.wait_indirect_dma semaphore(%arg7 : memref<!tpu.dma_semaphore, #tpu.memory_space<semaphore_mem>>) src(%dma_wait3A_93 : memref<1000000x128xf32, #tpu.memory_space<hbm>>) dst(%dma_wait3A_88 : memref<64x128xf32, #tpu.memory_space<vmem>>)
    %dma_wait3A_94 = arith.constant 64 : i32
    %dma_wait3A_95 = arith.constant 0 : i32
    %dma_wait3A_96 = tpu.memref_slice %arg6[%dma_wait3A_94, %dma_wait3A_95] : memref<640x128xf32, #tpu.memory_space<vmem>> -> memref<64x128xf32, #tpu.memory_space<vmem>>
    %dma_wait3A_97 = arith.constant 5824 : i32
    %dma_wait3A_98 = tpu.memref_slice %arg5[%dma_wait3A_97] : memref<6400xi32, #tpu.memory_space<vmem>> -> memref<64xi32, #tpu.memory_space<vmem>>
    %dma_wait3A_99 = arith.constant 0 : i32
    %dma_wait3A_100 = arith.constant 0 : i32
    %dma_wait3A_101 = tpu.memref_slice %arg2[%dma_wait3A_99, %dma_wait3A_100] : memref<1000000x128xf32, #tpu.memory_space<hbm>> -> memref<1000000x128xf32, #tpu.memory_space<hbm>>
    tpu.wait_indirect_dma semaphore(%arg8 : memref<!tpu.dma_semaphore, #tpu.memory_space<semaphore_mem>>) src(%dma_wait3A_101 : memref<1000000x128xf32, #tpu.memory_space<hbm>>) dst(%dma_wait3A_96 : memref<64x128xf32, #tpu.memory_space<vmem>>)
    %add3A_102 = arith.constant 5760 : i32
    %add3A_103 = arith.addi %mul3A_2, %add3A_102 : i32
    %dma_start3A_104 = arith.constant 0 : i32
    %dma_start3A_105 = arith.constant 0 : i32
    %dma_start3A_106 = tpu.memref_slice %arg6[%dma_start3A_104, %dma_start3A_105] : memref<640x128xf32, #tpu.memory_space<vmem>> -> memref<128x128xf32, #tpu.memory_space<vmem>>
    %dma_start3A_107 = arith.constant 0 : i32
    %dma_start3A_108 = tpu.memref_slice %arg4[%add3A_103, %dma_start3A_107] : memref<204800x128xf32, #tpu.memory_space<hbm>> -> memref<128x128xf32, #tpu.memory_space<hbm>>
    %dma_start3A_109 = arith.constant 0 : i32
    %dma_start3A_110 = tpu.memref_slice %arg4[%add3A_103, %dma_start3A_109] : memref<204800x128xf32, #tpu.memory_space<hbm>> -> memref<128x128xf32, #tpu.memory_space<hbm>>
    %dma_start3A_111 = arith.constant 0 : i32
    %dma_start3A_112 = arith.constant 0 : i32
    %dma_start3A_113 = tpu.memref_slice %arg6[%dma_start3A_111, %dma_start3A_112] : memref<640x128xf32, #tpu.memory_space<vmem>> -> memref<128x128xf32, #tpu.memory_space<vmem>>
    tpu.enqueue_dma source(%dma_start3A_113 : memref<128x128xf32, #tpu.memory_space<vmem>>) target(%dma_start3A_110 : memref<128x128xf32, #tpu.memory_space<hbm>>) target_semaphore(%arg17 : memref<!tpu.dma_semaphore, #tpu.memory_space<semaphore_mem>>)
    %dma_wait3A_114 = arith.constant 128 : i32
    %dma_wait3A_115 = arith.constant 0 : i32
    %dma_wait3A_116 = tpu.memref_slice %arg6[%dma_wait3A_114, %dma_wait3A_115] : memref<640x128xf32, #tpu.memory_space<vmem>> -> memref<64x128xf32, #tpu.memory_space<vmem>>
    %dma_wait3A_117 = arith.constant 5888 : i32
    %dma_wait3A_118 = tpu.memref_slice %arg5[%dma_wait3A_117] : memref<6400xi32, #tpu.memory_space<vmem>> -> memref<64xi32, #tpu.memory_space<vmem>>
    %dma_wait3A_119 = arith.constant 0 : i32
    %dma_wait3A_120 = arith.constant 0 : i32
    %dma_wait3A_121 = tpu.memref_slice %arg2[%dma_wait3A_119, %dma_wait3A_120] : memref<1000000x128xf32, #tpu.memory_space<hbm>> -> memref<1000000x128xf32, #tpu.memory_space<hbm>>
    tpu.wait_indirect_dma semaphore(%arg9 : memref<!tpu.dma_semaphore, #tpu.memory_space<semaphore_mem>>) src(%dma_wait3A_121 : memref<1000000x128xf32, #tpu.memory_space<hbm>>) dst(%dma_wait3A_116 : memref<64x128xf32, #tpu.memory_space<vmem>>)
    %dma_wait3A_122 = arith.constant 192 : i32
    %dma_wait3A_123 = arith.constant 0 : i32
    %dma_wait3A_124 = tpu.memref_slice %arg6[%dma_wait3A_122, %dma_wait3A_123] : memref<640x128xf32, #tpu.memory_space<vmem>> -> memref<64x128xf32, #tpu.memory_space<vmem>>
    %dma_wait3A_125 = arith.constant 5952 : i32
    %dma_wait3A_126 = tpu.memref_slice %arg5[%dma_wait3A_125] : memref<6400xi32, #tpu.memory_space<vmem>> -> memref<64xi32, #tpu.memory_space<vmem>>
    %dma_wait3A_127 = arith.constant 0 : i32
    %dma_wait3A_128 = arith.constant 0 : i32
    %dma_wait3A_129 = tpu.memref_slice %arg2[%dma_wait3A_127, %dma_wait3A_128] : memref<1000000x128xf32, #tpu.memory_space<hbm>> -> memref<1000000x128xf32, #tpu.memory_space<hbm>>
    tpu.wait_indirect_dma semaphore(%arg10 : memref<!tpu.dma_semaphore, #tpu.memory_space<semaphore_mem>>) src(%dma_wait3A_129 : memref<1000000x128xf32, #tpu.memory_space<hbm>>) dst(%dma_wait3A_124 : memref<64x128xf32, #tpu.memory_space<vmem>>)
    %add3A_130 = arith.constant 5888 : i32
    %add3A_131 = arith.addi %mul3A_2, %add3A_130 : i32
    %dma_start3A_132 = arith.constant 128 : i32
    %dma_start3A_133 = arith.constant 0 : i32
    %dma_start3A_134 = tpu.memref_slice %arg6[%dma_start3A_132, %dma_start3A_133] : memref<640x128xf32, #tpu.memory_space<vmem>> -> memref<128x128xf32, #tpu.memory_space<vmem>>
    %dma_start3A_135 = arith.constant 0 : i32
    %dma_start3A_136 = tpu.memref_slice %arg4[%add3A_131, %dma_start3A_135] : memref<204800x128xf32, #tpu.memory_space<hbm>> -> memref<128x128xf32, #tpu.memory_space<hbm>>
    %dma_start3A_137 = arith.constant 0 : i32
    %dma_start3A_138 = tpu.memref_slice %arg4[%add3A_131, %dma_start3A_137] : memref<204800x128xf32, #tpu.memory_space<hbm>> -> memref<128x128xf32, #tpu.memory_space<hbm>>
    %dma_start3A_139 = arith.constant 128 : i32
    %dma_start3A_140 = arith.constant 0 : i32
    %dma_start3A_141 = tpu.memref_slice %arg6[%dma_start3A_139, %dma_start3A_140] : memref<640x128xf32, #tpu.memory_space<vmem>> -> memref<128x128xf32, #tpu.memory_space<vmem>>
    tpu.enqueue_dma source(%dma_start3A_141 : memref<128x128xf32, #tpu.memory_space<vmem>>) target(%dma_start3A_138 : memref<128x128xf32, #tpu.memory_space<hbm>>) target_semaphore(%arg18 : memref<!tpu.dma_semaphore, #tpu.memory_space<semaphore_mem>>)
    %dma_wait3A_142 = arith.constant 256 : i32
    %dma_wait3A_143 = arith.constant 0 : i32
    %dma_wait3A_144 = tpu.memref_slice %arg6[%dma_wait3A_142, %dma_wait3A_143] : memref<640x128xf32, #tpu.memory_space<vmem>> -> memref<64x128xf32, #tpu.memory_space<vmem>>
    %dma_wait3A_145 = arith.constant 6016 : i32
    %dma_wait3A_146 = tpu.memref_slice %arg5[%dma_wait3A_145] : memref<6400xi32, #tpu.memory_space<vmem>> -> memref<64xi32, #tpu.memory_space<vmem>>
    %dma_wait3A_147 = arith.constant 0 : i32
    %dma_wait3A_148 = arith.constant 0 : i32
    %dma_wait3A_149 = tpu.memref_slice %arg2[%dma_wait3A_147, %dma_wait3A_148] : memref<1000000x128xf32, #tpu.memory_space<hbm>> -> memref<1000000x128xf32, #tpu.memory_space<hbm>>
    tpu.wait_indirect_dma semaphore(%arg11 : memref<!tpu.dma_semaphore, #tpu.memory_space<semaphore_mem>>) src(%dma_wait3A_149 : memref<1000000x128xf32, #tpu.memory_space<hbm>>) dst(%dma_wait3A_144 : memref<64x128xf32, #tpu.memory_space<vmem>>)
    %dma_wait3A_150 = arith.constant 320 : i32
    %dma_wait3A_151 = arith.constant 0 : i32
    %dma_wait3A_152 = tpu.memref_slice %arg6[%dma_wait3A_150, %dma_wait3A_151] : memref<640x128xf32, #tpu.memory_space<vmem>> -> memref<64x128xf32, #tpu.memory_space<vmem>>
    %dma_wait3A_153 = arith.constant 6080 : i32
    %dma_wait3A_154 = tpu.memref_slice %arg5[%dma_wait3A_153] : memref<6400xi32, #tpu.memory_space<vmem>> -> memref<64xi32, #tpu.memory_space<vmem>>
    %dma_wait3A_155 = arith.constant 0 : i32
    %dma_wait3A_156 = arith.constant 0 : i32
    %dma_wait3A_157 = tpu.memref_slice %arg2[%dma_wait3A_155, %dma_wait3A_156] : memref<1000000x128xf32, #tpu.memory_space<hbm>> -> memref<1000000x128xf32, #tpu.memory_space<hbm>>
    tpu.wait_indirect_dma semaphore(%arg12 : memref<!tpu.dma_semaphore, #tpu.memory_space<semaphore_mem>>) src(%dma_wait3A_157 : memref<1000000x128xf32, #tpu.memory_space<hbm>>) dst(%dma_wait3A_152 : memref<64x128xf32, #tpu.memory_space<vmem>>)
    %add3A_158 = arith.constant 6016 : i32
    %add3A_159 = arith.addi %mul3A_2, %add3A_158 : i32
    %dma_start3A_160 = arith.constant 256 : i32
    %dma_start3A_161 = arith.constant 0 : i32
    %dma_start3A_162 = tpu.memref_slice %arg6[%dma_start3A_160, %dma_start3A_161] : memref<640x128xf32, #tpu.memory_space<vmem>> -> memref<128x128xf32, #tpu.memory_space<vmem>>
    %dma_start3A_163 = arith.constant 0 : i32
    %dma_start3A_164 = tpu.memref_slice %arg4[%add3A_159, %dma_start3A_163] : memref<204800x128xf32, #tpu.memory_space<hbm>> -> memref<128x128xf32, #tpu.memory_space<hbm>>
    %dma_start3A_165 = arith.constant 0 : i32
    %dma_start3A_166 = tpu.memref_slice %arg4[%add3A_159, %dma_start3A_165] : memref<204800x128xf32, #tpu.memory_space<hbm>> -> memref<128x128xf32, #tpu.memory_space<hbm>>
    %dma_start3A_167 = arith.constant 256 : i32
    %dma_start3A_168 = arith.constant 0 : i32
    %dma_start3A_169 = tpu.memref_slice %arg6[%dma_start3A_167, %dma_start3A_168] : memref<640x128xf32, #tpu.memory_space<vmem>> -> memref<128x128xf32, #tpu.memory_space<vmem>>
    tpu.enqueue_dma source(%dma_start3A_169 : memref<128x128xf32, #tpu.memory_space<vmem>>) target(%dma_start3A_166 : memref<128x128xf32, #tpu.memory_space<hbm>>) target_semaphore(%arg19 : memref<!tpu.dma_semaphore, #tpu.memory_space<semaphore_mem>>)
    %dma_wait3A_170 = arith.constant 384 : i32
    %dma_wait3A_171 = arith.constant 0 : i32
    %dma_wait3A_172 = tpu.memref_slice %arg6[%dma_wait3A_170, %dma_wait3A_171] : memref<640x128xf32, #tpu.memory_space<vmem>> -> memref<64x128xf32, #tpu.memory_space<vmem>>
    %dma_wait3A_173 = arith.constant 6144 : i32
    %dma_wait3A_174 = tpu.memref_slice %arg5[%dma_wait3A_173] : memref<6400xi32, #tpu.memory_space<vmem>> -> memref<64xi32, #tpu.memory_space<vmem>>
    %dma_wait3A_175 = arith.constant 0 : i32
    %dma_wait3A_176 = arith.constant 0 : i32
    %dma_wait3A_177 = tpu.memref_slice %arg2[%dma_wait3A_175, %dma_wait3A_176] : memref<1000000x128xf32, #tpu.memory_space<hbm>> -> memref<1000000x128xf32, #tpu.memory_space<hbm>>
    tpu.wait_indirect_dma semaphore(%arg13 : memref<!tpu.dma_semaphore, #tpu.memory_space<semaphore_mem>>) src(%dma_wait3A_177 : memref<1000000x128xf32, #tpu.memory_space<hbm>>) dst(%dma_wait3A_172 : memref<64x128xf32, #tpu.memory_space<vmem>>)
    %dma_wait3A_178 = arith.constant 448 : i32
    %dma_wait3A_179 = arith.constant 0 : i32
    %dma_wait3A_180 = tpu.memref_slice %arg6[%dma_wait3A_178, %dma_wait3A_179] : memref<640x128xf32, #tpu.memory_space<vmem>> -> memref<64x128xf32, #tpu.memory_space<vmem>>
    %dma_wait3A_181 = arith.constant 6208 : i32
    %dma_wait3A_182 = tpu.memref_slice %arg5[%dma_wait3A_181] : memref<6400xi32, #tpu.memory_space<vmem>> -> memref<64xi32, #tpu.memory_space<vmem>>
    %dma_wait3A_183 = arith.constant 0 : i32
    %dma_wait3A_184 = arith.constant 0 : i32
    %dma_wait3A_185 = tpu.memref_slice %arg2[%dma_wait3A_183, %dma_wait3A_184] : memref<1000000x128xf32, #tpu.memory_space<hbm>> -> memref<1000000x128xf32, #tpu.memory_space<hbm>>
    tpu.wait_indirect_dma semaphore(%arg14 : memref<!tpu.dma_semaphore, #tpu.memory_space<semaphore_mem>>) src(%dma_wait3A_185 : memref<1000000x128xf32, #tpu.memory_space<hbm>>) dst(%dma_wait3A_180 : memref<64x128xf32, #tpu.memory_space<vmem>>)
    %add3A_186 = arith.constant 6144 : i32
    %add3A_187 = arith.addi %mul3A_2, %add3A_186 : i32
    %dma_start3A_188 = arith.constant 384 : i32
    %dma_start3A_189 = arith.constant 0 : i32
    %dma_start3A_190 = tpu.memref_slice %arg6[%dma_start3A_188, %dma_start3A_189] : memref<640x128xf32, #tpu.memory_space<vmem>> -> memref<128x128xf32, #tpu.memory_space<vmem>>
    %dma_start3A_191 = arith.constant 0 : i32
    %dma_start3A_192 = tpu.memref_slice %arg4[%add3A_187, %dma_start3A_191] : memref<204800x128xf32, #tpu.memory_space<hbm>> -> memref<128x128xf32, #tpu.memory_space<hbm>>
    %dma_start3A_193 = arith.constant 0 : i32
    %dma_start3A_194 = tpu.memref_slice %arg4[%add3A_187, %dma_start3A_193] : memref<204800x128xf32, #tpu.memory_space<hbm>> -> memref<128x128xf32, #tpu.memory_space<hbm>>
    %dma_start3A_195 = arith.constant 384 : i32
    %dma_start3A_196 = arith.constant 0 : i32
    %dma_start3A_197 = tpu.memref_slice %arg6[%dma_start3A_195, %dma_start3A_196] : memref<640x128xf32, #tpu.memory_space<vmem>> -> memref<128x128xf32, #tpu.memory_space<vmem>>
    tpu.enqueue_dma source(%dma_start3A_197 : memref<128x128xf32, #tpu.memory_space<vmem>>) target(%dma_start3A_194 : memref<128x128xf32, #tpu.memory_space<hbm>>) target_semaphore(%arg20 : memref<!tpu.dma_semaphore, #tpu.memory_space<semaphore_mem>>)
    %dma_wait3A_198 = arith.constant 512 : i32
    %dma_wait3A_199 = arith.constant 0 : i32
    %dma_wait3A_200 = tpu.memref_slice %arg6[%dma_wait3A_198, %dma_wait3A_199] : memref<640x128xf32, #tpu.memory_space<vmem>> -> memref<64x128xf32, #tpu.memory_space<vmem>>
    %dma_wait3A_201 = arith.constant 6272 : i32
    %dma_wait3A_202 = tpu.memref_slice %arg5[%dma_wait3A_201] : memref<6400xi32, #tpu.memory_space<vmem>> -> memref<64xi32, #tpu.memory_space<vmem>>
    %dma_wait3A_203 = arith.constant 0 : i32
    %dma_wait3A_204 = arith.constant 0 : i32
    %dma_wait3A_205 = tpu.memref_slice %arg2[%dma_wait3A_203, %dma_wait3A_204] : memref<1000000x128xf32, #tpu.memory_space<hbm>> -> memref<1000000x128xf32, #tpu.memory_space<hbm>>
    tpu.wait_indirect_dma semaphore(%arg15 : memref<!tpu.dma_semaphore, #tpu.memory_space<semaphore_mem>>) src(%dma_wait3A_205 : memref<1000000x128xf32, #tpu.memory_space<hbm>>) dst(%dma_wait3A_200 : memref<64x128xf32, #tpu.memory_space<vmem>>)
    %dma_wait3A_206 = arith.constant 576 : i32
    %dma_wait3A_207 = arith.constant 0 : i32
    %dma_wait3A_208 = tpu.memref_slice %arg6[%dma_wait3A_206, %dma_wait3A_207] : memref<640x128xf32, #tpu.memory_space<vmem>> -> memref<64x128xf32, #tpu.memory_space<vmem>>
    %dma_wait3A_209 = arith.constant 6336 : i32
    %dma_wait3A_210 = tpu.memref_slice %arg5[%dma_wait3A_209] : memref<6400xi32, #tpu.memory_space<vmem>> -> memref<64xi32, #tpu.memory_space<vmem>>
    %dma_wait3A_211 = arith.constant 0 : i32
    %dma_wait3A_212 = arith.constant 0 : i32
    %dma_wait3A_213 = tpu.memref_slice %arg2[%dma_wait3A_211, %dma_wait3A_212] : memref<1000000x128xf32, #tpu.memory_space<hbm>> -> memref<1000000x128xf32, #tpu.memory_space<hbm>>
    tpu.wait_indirect_dma semaphore(%arg16 : memref<!tpu.dma_semaphore, #tpu.memory_space<semaphore_mem>>) src(%dma_wait3A_213 : memref<1000000x128xf32, #tpu.memory_space<hbm>>) dst(%dma_wait3A_208 : memref<64x128xf32, #tpu.memory_space<vmem>>)
    %add3A_214 = arith.constant 6272 : i32
    %add3A_215 = arith.addi %mul3A_2, %add3A_214 : i32
    %dma_start3A_216 = arith.constant 512 : i32
    %dma_start3A_217 = arith.constant 0 : i32
    %dma_start3A_218 = tpu.memref_slice %arg6[%dma_start3A_216, %dma_start3A_217] : memref<640x128xf32, #tpu.memory_space<vmem>> -> memref<128x128xf32, #tpu.memory_space<vmem>>
    %dma_start3A_219 = arith.constant 0 : i32
    %dma_start3A_220 = tpu.memref_slice %arg4[%add3A_215, %dma_start3A_219] : memref<204800x128xf32, #tpu.memory_space<hbm>> -> memref<128x128xf32, #tpu.memory_space<hbm>>
    %dma_start3A_221 = arith.constant 0 : i32
    %dma_start3A_222 = tpu.memref_slice %arg4[%add3A_215, %dma_start3A_221] : memref<204800x128xf32, #tpu.memory_space<hbm>> -> memref<128x128xf32, #tpu.memory_space<hbm>>
    %dma_start3A_223 = arith.constant 512 : i32
    %dma_start3A_224 = arith.constant 0 : i32
    %dma_start3A_225 = tpu.memref_slice %arg6[%dma_start3A_223, %dma_start3A_224] : memref<640x128xf32, #tpu.memory_space<vmem>> -> memref<128x128xf32, #tpu.memory_space<vmem>>
    tpu.enqueue_dma source(%dma_start3A_225 : memref<128x128xf32, #tpu.memory_space<vmem>>) target(%dma_start3A_222 : memref<128x128xf32, #tpu.memory_space<hbm>>) target_semaphore(%arg21 : memref<!tpu.dma_semaphore, #tpu.memory_space<semaphore_mem>>)
    %add3A_226 = arith.constant 5760 : i32
    %add3A_227 = arith.addi %mul3A_2, %add3A_226 : i32
    %dma_wait3A_228 = arith.constant 0 : i32
    %dma_wait3A_229 = arith.constant 0 : i32
    %dma_wait3A_230 = tpu.memref_slice %arg6[%dma_wait3A_228, %dma_wait3A_229] : memref<640x128xf32, #tpu.memory_space<vmem>> -> memref<128x128xf32, #tpu.memory_space<vmem>>
    %dma_wait3A_231 = arith.constant 0 : i32
    %dma_wait3A_232 = tpu.memref_slice %arg4[%add3A_227, %dma_wait3A_231] : memref<204800x128xf32, #tpu.memory_space<hbm>> -> memref<128x128xf32, #tpu.memory_space<hbm>>
    %dma_wait3A_233 = arith.constant 0 : i32
    %dma_wait3A_234 = tpu.memref_slice %arg4[%add3A_227, %dma_wait3A_233] : memref<204800x128xf32, #tpu.memory_space<hbm>> -> memref<128x128xf32, #tpu.memory_space<hbm>>
    %dma_wait3A_235 = arith.constant 0 : i32
    %dma_wait3A_236 = arith.constant 0 : i32
    %dma_wait3A_237 = tpu.memref_slice %arg6[%dma_wait3A_235, %dma_wait3A_236] : memref<640x128xf32, #tpu.memory_space<vmem>> -> memref<128x128xf32, #tpu.memory_space<vmem>>
    tpu.wait_dma2 semaphore(%arg17 : memref<!tpu.dma_semaphore, #tpu.memory_space<semaphore_mem>>) src(%dma_wait3A_237 : memref<128x128xf32, #tpu.memory_space<vmem>>) dst(%dma_wait3A_234 : memref<128x128xf32, #tpu.memory_space<hbm>>)
    %add3A_238 = arith.constant 5888 : i32
    %add3A_239 = arith.addi %mul3A_2, %add3A_238 : i32
    %dma_wait3A_240 = arith.constant 128 : i32
    %dma_wait3A_241 = arith.constant 0 : i32
    %dma_wait3A_242 = tpu.memref_slice %arg6[%dma_wait3A_240, %dma_wait3A_241] : memref<640x128xf32, #tpu.memory_space<vmem>> -> memref<128x128xf32, #tpu.memory_space<vmem>>
    %dma_wait3A_243 = arith.constant 0 : i32
    %dma_wait3A_244 = tpu.memref_slice %arg4[%add3A_239, %dma_wait3A_243] : memref<204800x128xf32, #tpu.memory_space<hbm>> -> memref<128x128xf32, #tpu.memory_space<hbm>>
    %dma_wait3A_245 = arith.constant 0 : i32
    %dma_wait3A_246 = tpu.memref_slice %arg4[%add3A_239, %dma_wait3A_245] : memref<204800x128xf32, #tpu.memory_space<hbm>> -> memref<128x128xf32, #tpu.memory_space<hbm>>
    %dma_wait3A_247 = arith.constant 128 : i32
    %dma_wait3A_248 = arith.constant 0 : i32
    %dma_wait3A_249 = tpu.memref_slice %arg6[%dma_wait3A_247, %dma_wait3A_248] : memref<640x128xf32, #tpu.memory_space<vmem>> -> memref<128x128xf32, #tpu.memory_space<vmem>>
    tpu.wait_dma2 semaphore(%arg18 : memref<!tpu.dma_semaphore, #tpu.memory_space<semaphore_mem>>) src(%dma_wait3A_249 : memref<128x128xf32, #tpu.memory_space<vmem>>) dst(%dma_wait3A_246 : memref<128x128xf32, #tpu.memory_space<hbm>>)
    %add3A_250 = arith.constant 6016 : i32
    %add3A_251 = arith.addi %mul3A_2, %add3A_250 : i32
    %dma_wait3A_252 = arith.constant 256 : i32
    %dma_wait3A_253 = arith.constant 0 : i32
    %dma_wait3A_254 = tpu.memref_slice %arg6[%dma_wait3A_252, %dma_wait3A_253] : memref<640x128xf32, #tpu.memory_space<vmem>> -> memref<128x128xf32, #tpu.memory_space<vmem>>
    %dma_wait3A_255 = arith.constant 0 : i32
    %dma_wait3A_256 = tpu.memref_slice %arg4[%add3A_251, %dma_wait3A_255] : memref<204800x128xf32, #tpu.memory_space<hbm>> -> memref<128x128xf32, #tpu.memory_space<hbm>>
    %dma_wait3A_257 = arith.constant 0 : i32
    %dma_wait3A_258 = tpu.memref_slice %arg4[%add3A_251, %dma_wait3A_257] : memref<204800x128xf32, #tpu.memory_space<hbm>> -> memref<128x128xf32, #tpu.memory_space<hbm>>
    %dma_wait3A_259 = arith.constant 256 : i32
    %dma_wait3A_260 = arith.constant 0 : i32
    %dma_wait3A_261 = tpu.memref_slice %arg6[%dma_wait3A_259, %dma_wait3A_260] : memref<640x128xf32, #tpu.memory_space<vmem>> -> memref<128x128xf32, #tpu.memory_space<vmem>>
    tpu.wait_dma2 semaphore(%arg19 : memref<!tpu.dma_semaphore, #tpu.memory_space<semaphore_mem>>) src(%dma_wait3A_261 : memref<128x128xf32, #tpu.memory_space<vmem>>) dst(%dma_wait3A_258 : memref<128x128xf32, #tpu.memory_space<hbm>>)
    %add3A_262 = arith.constant 6144 : i32
    %add3A_263 = arith.addi %mul3A_2, %add3A_262 : i32
    %dma_wait3A_264 = arith.constant 384 : i32
    %dma_wait3A_265 = arith.constant 0 : i32
    %dma_wait3A_266 = tpu.memref_slice %arg6[%dma_wait3A_264, %dma_wait3A_265] : memref<640x128xf32, #tpu.memory_space<vmem>> -> memref<128x128xf32, #tpu.memory_space<vmem>>
    %dma_wait3A_267 = arith.constant 0 : i32
    %dma_wait3A_268 = tpu.memref_slice %arg4[%add3A_263, %dma_wait3A_267] : memref<204800x128xf32, #tpu.memory_space<hbm>> -> memref<128x128xf32, #tpu.memory_space<hbm>>
    %dma_wait3A_269 = arith.constant 0 : i32
    %dma_wait3A_270 = tpu.memref_slice %arg4[%add3A_263, %dma_wait3A_269] : memref<204800x128xf32, #tpu.memory_space<hbm>> -> memref<128x128xf32, #tpu.memory_space<hbm>>
    %dma_wait3A_271 = arith.constant 384 : i32
    %dma_wait3A_272 = arith.constant 0 : i32
    %dma_wait3A_273 = tpu.memref_slice %arg6[%dma_wait3A_271, %dma_wait3A_272] : memref<640x128xf32, #tpu.memory_space<vmem>> -> memref<128x128xf32, #tpu.memory_space<vmem>>
    tpu.wait_dma2 semaphore(%arg20 : memref<!tpu.dma_semaphore, #tpu.memory_space<semaphore_mem>>) src(%dma_wait3A_273 : memref<128x128xf32, #tpu.memory_space<vmem>>) dst(%dma_wait3A_270 : memref<128x128xf32, #tpu.memory_space<hbm>>)
    %add3A_274 = arith.constant 6272 : i32
    %add3A_275 = arith.addi %mul3A_2, %add3A_274 : i32
    %dma_wait3A_276 = arith.constant 512 : i32
    %dma_wait3A_277 = arith.constant 0 : i32
    %dma_wait3A_278 = tpu.memref_slice %arg6[%dma_wait3A_276, %dma_wait3A_277] : memref<640x128xf32, #tpu.memory_space<vmem>> -> memref<128x128xf32, #tpu.memory_space<vmem>>
    %dma_wait3A_279 = arith.constant 0 : i32
    %dma_wait3A_280 = tpu.memref_slice %arg4[%add3A_275, %dma_wait3A_279] : memref<204800x128xf32, #tpu.memory_space<hbm>> -> memref<128x128xf32, #tpu.memory_space<hbm>>
    %dma_wait3A_281 = arith.constant 0 : i32
    %dma_wait3A_282 = tpu.memref_slice %arg4[%add3A_275, %dma_wait3A_281] : memref<204800x128xf32, #tpu.memory_space<hbm>> -> memref<128x128xf32, #tpu.memory_space<hbm>>
    %dma_wait3A_283 = arith.constant 512 : i32
    %dma_wait3A_284 = arith.constant 0 : i32
    %dma_wait3A_285 = tpu.memref_slice %arg6[%dma_wait3A_283, %dma_wait3A_284] : memref<640x128xf32, #tpu.memory_space<vmem>> -> memref<128x128xf32, #tpu.memory_space<vmem>>
    tpu.wait_dma2 semaphore(%arg21 : memref<!tpu.dma_semaphore, #tpu.memory_space<semaphore_mem>>) src(%dma_wait3A_285 : memref<128x128xf32, #tpu.memory_space<vmem>>) dst(%dma_wait3A_282 : memref<128x128xf32, #tpu.memory_space<hbm>>)
    return
  }
}

</mosaic_0001>

<sc_bundles>
// kernel: kernel.3.cloned.1.call-start
scs
__scs_entry_jumppad:
0x0: {  	(pc) =	sbr.rel $0x88, $3  }
0x1: {  	(tag) =	ssettag $0x0;
	lr =	simm.s32 $0x1  }
0x2: {  	[smem:$0x3F9F] =	sst lr;
	_ =	strace $0xD0000000  }
0x3: {  	_ = 	snop  }
0x4: {  	_ = 	snop  }
0x5: {  	_ = 	snop  }
0x6: {  	_ = 	snop  }
0x7: {  	_ = 	snop  }
__scs_overlays_trampoline_lowered:
0x8: {  	[smem:$0x3FAE] =	sst s0  }
0x9: {  	[smem:$0x3FAF] =	sst s1  }
0xa: {  	[smem:$0x3FB0] =	sst s2  }
0xb: {  	[smem:$0x3FB1] =	sst s3  }
0xc: {  	[smem:$0x3FB2] =	sst s4  }
0xd: {  	[smem:$0x3FB3] =	sst s5  }
0xe: {  	[smem:$0x3FB4] =	sst s6  }
0xf: {  	[smem:$0x3FB5] =	sst s7  }
0x10: {  	[smem:$0x3FB6] =	sst s8  }
0x11: {  	[smem:$0x3FB7] =	sst s9;
	s0 =	simm.s32 @!p0 $0x0  }
0x12: {  	s1 =	sld [smem:$0x3F9D];
	s0 =	simm.s32 @p0 $0x1  }
0x13: {  	[smem:$0x3FB8] =	sst s0;
	s0 =	simm.s32 @!p1 $0x0  }
0x14: {  	s2 =	sld [smem:$0x3F9C];
	s0 =	simm.s32 @p1 $0x1  }
0x15: {  	[smem:$0x3FB9] =	sst s0;
	s0 =	simm.s32 @!p2 $0x0  }
0x16: {  	s3 =	sld [smem:$0x3FDB];
	s0 =	simm.s32 @p2 $0x1  }
0x17: {  	s4 =	simm.s32 $0x1BF5;
	[smem:$0x3FBB] =	sst s0  }
0x18: {  	s0 =	sld [smem:$0x3F9E];
	_ =	swait.ge [sflag:s4], $0x0  }
0x19: {  	s7 =	sld [smem:$0x3F9F]  }
0x1a: {  	s8 =	sadd.s32 $0xFFFFE003, lr  }
0x1b: {  	s9 =	sadd.s32 $0xFFFFFEF7, lr;
	s5 =	simm.s32 $0xFFFFFFFF;
	p2 =	slt.u32 s8, $0xFFFFF086  }
0x1c: {  	p1 =	slt.u32 s9, $0xF7A;
	s5 =	simm.s32 @!p2 $0x0  }
0x1d: {  	s5 =	simm.s32 @p1 $0x1;
	p0 =	seq.s32 s7, s2  }
0x1e: {  	s7 =	smul.u32 @!p0 $0xF7A, s2;
	p2 =	seq.s32 @!p0 s5, $0x0  }
0x1f: {  	s9 =	smul.u32 $0xF7A, s1;
	s8 =	simm.s32 @!p0 $0x1BF5;
	p2 =	por !p2, p0  }
0x20: {  	[sflag:s8] =	ssyncset.s32 @!p0 $0xFFFFF086;
	s6 =	sadd.s32 @!p0 s3, s7;
	s7 =	simm.s32 @!p0 $0x108  }
0x21: {  	s3 =	sadd.s32 s3, s9;
	s6 =	sadd.s32 @!p0 $0x88, s6;
	s7 =	simm.s32 @p2 $0x1082  }
0x22: {  	[simem:s7], [sflag:s8] =	dma.local @!p0 [hbm:s6], $0xF7A  }
0x23: {  	s9 =	sor.u32 $0xD0000000, s2;
	s6 =	simm.s32 $0x108;
	_ =	swait.ge @!p0 [sflag:s8], $0x0  }
0x24: {  	s3 =	sadd.s32 $0x88, s3;
	s6 =	simm.s32 @!p1 $0x1082;
	[sflag:s4] =	ssyncset.s32 $0xFFFFF086  }
0x25: {  	[simem:s6], [sflag:s4] =	dma.local [hbm:s3], $0xF7A  }
0x26: {  	[smem:$0x3F9F] =	sst s1;
	(tag) =	ssettag s2;
	_ =	strace s9  }
0x27: {  	s1 =	sld [smem:$0x3FAF]  }
0x28: {  	s2 =	sld [smem:$0x3FB0]  }
0x29: {  	s4 =	sld [smem:$0x3FB2]  }
0x2a: {  	p0 =	seq.s32 s5, $0x0;
	s5 =	sld [smem:$0x3FB3]  }
0x2b: {  	s6 =	sld [smem:$0x3FB4]  }
0x2c: {  	s7 =	sld [smem:$0x3FB5]  }
0x2d: {  	s3 =	simm.s32 $0x108;
	s8 =	sld [smem:$0x3FB6]  }
0x2e: {  	s3 =	simm.s32 @!p0 $0x1082;
	s9 =	sld [smem:$0x3FB7]  }
0x2f: {  	lr =	sadd.s32 s0, s3;
	s0 =	sld [smem:$0x3FAE]  }
0x30: {  	s3 =	sld [smem:$0x3FB1]  }
0x31: {  	[smem:$0x3FBA] =	sst s10  }
0x32: {  	s10 =	sld [smem:$0x3FB8];
	_ =	sdelay $0x3  }
0x33: {  	p0 =	seq.s32 s10, $0x1;
	s10 =	sld [smem:$0x3FBA];
	_ =	sdelay $0x3  }
0x34: {  	[smem:$0x3FBA] =	sst s10  }
0x35: {  	s10 =	sld [smem:$0x3FB9];
	_ =	sdelay $0x3  }
0x36: {  	p1 =	seq.s32 s10, $0x1;
	s10 =	sld [smem:$0x3FBA];
	_ =	sdelay $0x3  }
0x37: {  	[smem:$0x3FBA] =	sst s10  }
0x38: {  	s10 =	sld [smem:$0x3FBB]  }
0x39: {  	_ = 	snop;
	(pc) =	sbr.ind lr, $3  }
0x3a: {  	_ = 	snop  }
0x3b: {  	_ = 	snop  }
0x3c: {  	p2 =	seq.s32 s10, $0x1;
	s10 =	sld [smem:$0x3FBA]  }
0x3d: {  	_ =	shalt  }
0x3e: {  	_ =	shalt  }
0x3f: {  	_ =	shalt  }
0x40: {  	_ =	shalt  }
0x41: {  	_ =	shalt  }
0x42: {  	_ =	shalt  }
0x43: {  	_ =	shalt  }
0x44: {  	_ =	shalt  }
0x45: {  	_ =	shalt  }
0x46: {  	_ =	shalt  }
0x47: {  	_ =	shalt  }
0x48: {  	_ =	shalt  }
0x49: {  	_ =	shalt  }
0x4a: {  	_ =	shalt  }
0x4b: {  	_ =	shalt  }
0x4c: {  	_ =	shalt  }
0x4d: {  	_ =	shalt  }
0x4e: {  	_ =	shalt  }
0x4f: {  	_ =	shalt  }
0x50: {  	_ =	shalt  }
0x51: {  	_ =	shalt  }
0x52: {  	_ =	shalt  }
0x53: {  	_ =	shalt  }
0x54: {  	_ =	shalt  }
0x55: {  	_ =	shalt  }
0x56: {  	_ =	shalt  }
0x57: {  	_ =	shalt  }
0x58: {  	_ =	shalt  }
0x59: {  	_ =	shalt  }
0x5a: {  	_ =	shalt  }
0x5b: {  	_ =	shalt  }
0x5c: {  	_ =	shalt  }
0x5d: {  	_ =	shalt  }
0x5e: {  	_ =	shalt  }
0x5f: {  	_ =	shalt  }
0x60: {  	_ =	shalt  }
0x61: {  	_ =	shalt  }
0x62: {  	_ =	shalt  }
0x63: {  	_ =	shalt  }
0x64: {  	_ =	shalt  }
0x65: {  	_ =	shalt  }
0x66: {  	_ =	shalt  }
0x67: {  	_ =	shalt  }
0x68: {  	_ =	shalt  }
0x69: {  	_ =	shalt  }
0x6a: {  	_ =	shalt  }
0x6b: {  	_ =	shalt  }
0x6c: {  	_ =	shalt  }
0x6d: {  	_ =	shalt  }
0x6e: {  	_ =	shalt  }
0x6f: {  	_ =	shalt  }
0x70: {  	_ =	shalt  }
0x71: {  	_ =	shalt  }
0x72: {  	_ =	shalt  }
0x73: {  	_ =	shalt  }
0x74: {  	_ =	shalt  }
0x75: {  	_ =	shalt  }
0x76: {  	_ =	shalt  }
0x77: {  	_ =	shalt  }
0x78: {  	_ =	shalt  }
0x79: {  	_ =	shalt  }
0x7a: {  	_ =	shalt  }
0x7b: {  	_ =	shalt  }
0x7c: {  	_ =	shalt  }
0x7d: {  	_ =	shalt  }
0x7e: {  	_ =	shalt  }
0x7f: {  	_ =	shalt  }
0x80: {  	_ =	shalt  }
0x81: {  	_ =	shalt  }
0x82: {  	_ =	shalt  }
0x83: {  	_ =	shalt  }
0x84: {  	_ =	shalt  }
0x85: {  	_ =	shalt  }
0x86: {  	_ =	shalt  }
0x87: {  	_ =	shalt  }
.Lfunc_end0:
.L_simem_size_0:
called_computation_lowered:
.L_overlay_start_0:
0x88: {  	s2 =	sld [smem:$0x3FD9]  }
0x89: {  	s3 =	sld [smem:$0x3FFE];
	_ =	sdelay $0x1  }
0x8a: {  	s1 =	srdreg.scid  }
0x8b: {  	s0 =	sand.u32 $0x1, s1  }
0x8c: {  	s17 =	sshll.u32 s0, $0xA;
	s2 =	sadd.s32 s3, s2  }
0x8d: {  	s2 =	sadd.s32 s2, s17  }
0x8e: {  	[smem:$0x3FC6] =	sst s2  }
0x8f: {  	_ = 	snop  }
0x90: {  	s2 =	sld [smem:$0x3FC8]  }
0x91: {  	s18 =	sld [smem:$0x3FD0];
	(tm) =	ssettm $0x1  }
0x92: {  	s4 =	sld [smem:$0x3FFB];
	_ =	sdelay $0x3  }
0x93: {  	_ =	strace s4  }
0x94: {  	s4 =	sld [smem:$0x3FFC];
	_ =	sdelay $0x3  }
0x95: {  	_ =	strace s4  }
0x96: {  	s4 =	sld [smem:$0x3FFD];
	_ =	sdelay $0x3  }
0x97: {  	_ =	strace s4  }
0x98: {  	_ =	strace $0x8FFFFFFF  }
0x99: {  	s19 =	sld [smem:$0x3FDB];
	_ =	sdelay $0x1  }
0x9a: {  	s5 =	simm.s32 $_scs_section_size  }
0x9b: {  	s6 =	simm.s32 $_size__tile_overlayer_lowered;
	s7 =	simm.s32 $_tile_overlayer_lowered  }
0x9c: {  	s22 =	simm.s32 $0x1BFF;
	s21 =	sshll.u32 s7, $0x1;
	s4 =	sadd.s32 s5, s19  }
0x9d: {  	s8 =	simm.s32 $0x0;
	s20 =	sshll.u32 s6, $0x1;
	s6 =	sadd.s32 s21, s4  }
0x9e: {  	[timem:s8], [sflag:s22] =	dma.local [hbm:s6], s20  }
0x9f: {  	_ =	swait.ge [sflag:s22], s20  }
0xa0: {  	s5 =	ssub.s32 $0x0, s20;
	[sflag:s22] =	ssyncset.done $0x0  }
0xa1: {  	[sflag:s22] =	ssyncadd.s32 s5;
	_ =	sdelay $0x1  }
0xa2: {  	s23 =	simm.s32 $0x1B8B  }
0xa3: {  	_ =	swait.ge [sflag:s23], $0x1  }
0xa4: {  	[sflag:s23] =	ssyncset.done $0x0  }
0xa5: {  	s25 =	simm.s32 $0x1B8E;
	s24 =	sld [smem:$0x3FFE];
	[sflag:s23] =	ssyncadd.s32 $0xFFFFFFFF  }
0xa6: {  	s26 =	simm.s32 $execute0_lowered;
	[smem:$0x3FD2] =	sst s25  }
0xa7: {  	s6 =	sshll.u32 s26, $0x1;
	_ =	strace $0x80000046;
	[dreg:$0x1] =	wrdreg $0xFFFFFFFF  }
0xa8: {  	s28 =	simm.s32 $_size_execute0_lowered;
	s4 =	sadd.s32 s4, s6;
	[dreg:$0x0] =	wrdreg $0x0  }
0xa9: {  	s6 =	sshll.u32 s28, $0x1;
	[dreg:$0x2] =	wrdreg s4  }
0xaa: {  	[dreg:$0x3] =	wrdreg s6  }
0xab: {  	[dreg:$0x4] =	wrdreg $0xC0  }
0xac: {  	_ =	task [dreg:s8], $0x5FFFF  }
0xad: {  	[dreg:$0x1] =	wrdreg $0xFFFFFFFF  }
0xae: {  	[dreg:$0x0] =	wrdreg $0x60  }
0xaf: {  	[dreg:$0x2] =	wrdreg s2  }
0xb0: {  	[dreg:$0x3] =	wrdreg s24  }
0xb1: {  	[dreg:$0x4] =	wrdreg s18  }
0xb2: {  	[dreg:$0x5] =	wrdreg $0x9  }
0xb3: {  	_ =	task.clear_ibuf [dreg:s8], $0x6FFFF;
	_ =	strace $0x90000046  }
0xb4: {  	s29 =	simm.s32 $0x9;
	_ =	strace $0x80000048  }
0xb5: {  	_ =	swait.ge [sflag:s29], $0x1  }
0xb6: {  	[sflag:s29] =	ssyncadd.s32 $0xFFFFFFFF  }
0xb7: {  	_ =	strace $0x90000048  }
0xb8: {  	_ =	sfence  }
0xb9: {  	s30 =	sld [smem:$0x0];
	_ =	sdelay $0x2  }
0xba: {  	s31 =	sshll.u32 s1, $0xD;
	s1 =	sshrl.u32 s1, $0x2  }
0xbb: {  	s3 =	sand.u32 $0x4000, s31;
	s1 =	sadd.s32 s1, s30  }
0xbc: {  	s0 =	sor.u32 s3, s0;
	s1 =	sshll.u32 s1, $0x11  }
0xbd: {  	s0 =	sor.u32 s1, s0  }
0xbe: {  	s0 =	sadd.s32 $0x8F2B, s0  }
0xbf: {  	[sflag:s0] =	ssyncadd.remote.s32 $0x1  }
0xc0: {  	_ =	sfence.sel $0xFFFF  }
0xc1: {  	[dreg:$0x0] =	wrdreg $0xFFFFFFFF;
	(pc) =	sbr.abs _section_cstart, $3  }
0xc2: {  	[dreg:$0x1] =	wrdreg $0xFFFFFFFF  }
0xc3: {  	_ =	task.clear_ibuf [dreg:s8], $0x2FFFF;
	_ =	strace $0x9FFFFFFF  }
0xc4: {  	(tm) =	ssettm $0x7FFFFFFF  }
0xc5: {  	_ =	shalt  }
tec
execute0_lowered:
.L_overlay_start_1:
0x0: {  	(tag) =	ssettag $0x1  }
0x1: {  	s1 =	rddreg [dreg:$0x0]  }
0x2: {  	s0 =	srdreg.scid;
	s2 =	rddreg [dreg:$0x1]  }
0x3: {  	s8 =	stileid.u32;
	s4 =	rddreg [dreg:$0x2]  }
0x4: {  	s13 =	simm.s32 $0x40;
	s14 =	simm.s32 $0x1900;
	s12 =	simm.s32 $0x3900  }
0x5: {  	s17 =	simm.s32 $0x5900;
	s15 =	simm.s32 $0x7900;
	s19 =	simm.s32 $0xB900  }
0x6: {  	s30 =	simm.s32 $0x11900;
	s16 =	simm.s32 $0x2;
	s18 =	simm.s32 $0x3  }
0x7: {  	s29 =	simm.s32 $0x8;
	s31 =	simm.s32 $0x9;
	s9 =	simm.s32 $0xF  }
0x8: {  	s0 =	sand.u32 $0x1, s0;
	s3 =	sshll.u32 s8, $0x1;
	s21 =	smul.u32 $0x32000, s8  }
0x9: {  	s5 =	sor.u32 s0, s3;
	s7 =	ssub.s32 $0x2, s0;
	s0 =	smul.u32 $0x19000, s0  }
0xa: {  	s11 =	simm.s32 $0x0;
	s28 =	simm.s32 $0xB900;
	s6 =	smul.u32 $0x1900, s5  }
0xb: {  	s8 =	simm.s32 $0xE;
	s3 =	simm.s32 $0x0;
	s5 =	smul.u32 $0xC8000, s5  }
0xc: {  	[smem:$0x7FF] =	sst s3;
	s20 =	sshrl.u32 s7, $0x1;
	s6 =	sshrl.u32 s6, $0x3  }
0xd: {  	_ =	strace $0x80000047;
	s5 =	sshrl.u32 s5, $0x3;
	s2 =	sadd.s32 s6, s2  }
0xe: {  	s6 =	ssub.s32 s7, s20;
	s22 =	sadd.s32 s4, s5;
	s4 =	sadd.s32 s21, s4  }
0xf: {  	s21 =	simm.s32 $0x9900;
	s20 =	simm.s32 $0x4;
	s2 =	sadd.s32 $0x400, s2  }
0x10: {  	s7 =	simm.s32 $0xD;
	s5 =	sadd.s32 $0x16800, s22;
	[dreg:$0x4] =	wrdreg s2  }
0x11: {  	s23 =	sadd.s32 $0x17000, s22;
	s24 =	sadd.s32 $0x17800, s22;
	[dreg:$0x5] =	wrdreg s5  }
0x12: {  	s25 =	sadd.s32 $0x18000, s22;
	s0 =	sadd.s32 s0, s4;
	[dreg:$0x6] =	wrdreg s23  }
0x13: {  	s26 =	smax.u32 s6, $0x1;
	s4 =	simm.s32 $0xA;
	[dreg:$0x7] =	wrdreg s24  }
0x14: {  	s6 =	simm.s32 $0xC;
	[dreg:$0x8] =	wrdreg s25;
	s2 =	sadd.s32 $0x18800, s22  }
0x15: {  	[dreg:$0xa] =	wrdreg s26;
	s0 =	sadd.s32 $0x2000, s0;
	s25 =	simm.s32 $0xD900  }
0x16: {  	s22 =	simm.s32 $0x5;
	s24 =	simm.s32 $0x6;
	s26 =	simm.s32 $0x7  }
0x17: {  	s5 =	simm.s32 $0xB;
	s23 =	simm.s32 $0x7900;
	[dreg:$0x9] =	wrdreg s2  }
0x18: {  	[dreg:$0xb] =	wrdreg s0;
	s2 =	simm.s32 $0xF900;
	s0 =	simm.s32 $0x1  }
.LBB2_1:
0x19: {  	[dreg:$0xc] =	wrdreg s11  }
0x1a: {  	s10 =	rddreg [dreg:$0x4];
	s11 =	simm.s32 $0x10  }
0x1b: {  	[tilespmem:s3], [sflag:$0x10] =	stream.linear.gather [hbm4b:s10+s3], $0x1900, $0x38;
	[tilespmem:$0x15900] =	vst v63  }
0x1c: {  	_ =	swait.ge [sflag:s11], $0x1900  }
0x1d: {  	[sflag:s11] =	ssyncset.done $0x0  }
0x1e: {  	[sflag:s11] =	ssyncadd.s32 $0xFFFFE700  }
0x1f: {  	[tilespmem:s14], [sflag:$0x1] =	stream.indirect.gather [hbm4b:s1+s13], $0x80, s3, s13, $0xb8;
	[tilespmem:$0x15900] =	vst v63  }
0x20: {  	_ = 	snop  }
0x21: {  	[tilespmem:s12], [sflag:$0x2] =	stream.indirect.gather [hbm4b:s1+s13], $0x80, s13, s13, $0xb8;
	[tilespmem:$0x15900] =	vst v63  }
0x22: {  	s11 =	simm.s32 $0x80  }
0x23: {  	[tilespmem:s17], [sflag:$0x3] =	stream.indirect.gather [hbm4b:s1+s13], $0x80, s11, s13, $0xb8;
	[tilespmem:$0x15900] =	vst v63  }
0x24: {  	s11 =	simm.s32 $0xC0  }
0x25: {  	[tilespmem:s15], [sflag:$0x4] =	stream.indirect.gather [hbm4b:s1+s13], $0x80, s11, s13, $0xb8;
	[tilespmem:$0x15900] =	vst v63  }
0x26: {  	s11 =	simm.s32 $0x100  }
0x27: {  	[tilespmem:s21], [sflag:$0x5] =	stream.indirect.gather [hbm4b:s1+s13], $0x80, s11, s13, $0xb8;
	[tilespmem:$0x15900] =	vst v63  }
0x28: {  	s11 =	simm.s32 $0x140  }
0x29: {  	[tilespmem:s19], [sflag:$0x6] =	stream.indirect.gather [hbm4b:s1+s13], $0x80, s11, s13, $0xb8;
	[tilespmem:$0x15900] =	vst v63  }
0x2a: {  	s11 =	simm.s32 $0x180  }
0x2b: {  	[tilespmem:s25], [sflag:$0x7] =	stream.indirect.gather [hbm4b:s1+s13], $0x80, s11, s13, $0xb8;
	[tilespmem:$0x15900] =	vst v63  }
0x2c: {  	s11 =	simm.s32 $0x1C0  }
0x2d: {  	[tilespmem:s2], [sflag:$0x8] =	stream.indirect.gather [hbm4b:s1+s13], $0x80, s11, s13, $0xb8;
	[tilespmem:$0x15900] =	vst v63  }
0x2e: {  	s11 =	simm.s32 $0x200  }
0x2f: {  	[tilespmem:s30], [sflag:$0x9] =	stream.indirect.gather [hbm4b:s1+s13], $0x80, s11, s13, $0xb8;
	[tilespmem:$0x15900] =	vst v63  }
0x30: {  	s10 =	simm.s32 $0x240;
	s11 =	simm.s32 $0x13900  }
0x31: {  	[tilespmem:s11], [sflag:$0xA] =	stream.indirect.gather [hbm4b:s1+s13], $0x80, s10, s13, $0xb8;
	[tilespmem:$0x15900] =	vst v63  }
0x32: {  	_ =	swait.ge [sflag:s0], $0x2000  }
0x33: {  	[sflag:s0] =	ssyncset.done $0x0  }
0x34: {  	[sflag:s0] =	ssyncadd.s32 $0xFFFFE000  }
0x35: {  	_ =	swait.ge [sflag:s16], $0x2000  }
0x36: {  	[sflag:s16] =	ssyncset.done $0x0;
	s11 =	rddreg [dreg:$0xb]  }
0x37: {  	[sflag:s16] =	ssyncadd.s32 $0xFFFFE000;
	s10 =	sadd.s32 $0xFFFFE000, s11  }
0x38: {  	[hbm4b:s10+s3] =	stream.linear.scatter [tilespmem:s14], [sflag:$0xB], $0x4000, $0x38;
	[tilespmem:$0x15900] =	vst v63  }
0x39: {  	_ =	swait.ge [sflag:s18], $0x2000  }
0x3a: {  	[sflag:s18] =	ssyncset.done $0x0  }
0x3b: {  	[sflag:s18] =	ssyncadd.s32 $0xFFFFE000  }
0x3c: {  	_ =	swait.ge [sflag:s20], $0x2000  }
0x3d: {  	[sflag:s20] =	ssyncset.done $0x0  }
0x3e: {  	s10 =	sadd.s32 $0xFFFFE800, s11;
	[sflag:s20] =	ssyncadd.s32 $0xFFFFE000  }
0x3f: {  	[hbm4b:s10+s3] =	stream.linear.scatter [tilespmem:s17], [sflag:$0xC], $0x4000, $0x38;
	[tilespmem:$0x15900] =	vst v63  }
0x40: {  	_ =	swait.ge [sflag:s22], $0x2000  }
0x41: {  	[sflag:s22] =	ssyncset.done $0x0  }
0x42: {  	[sflag:s22] =	ssyncadd.s32 $0xFFFFE000  }
0x43: {  	_ =	swait.ge [sflag:s24], $0x2000  }
0x44: {  	[sflag:s24] =	ssyncset.done $0x0  }
0x45: {  	s10 =	sadd.s32 $0xFFFFF000, s11;
	[sflag:s24] =	ssyncadd.s32 $0xFFFFE000  }
0x46: {  	[hbm4b:s10+s3] =	stream.linear.scatter [tilespmem:s21], [sflag:$0xD], $0x4000, $0x38;
	[tilespmem:$0x15900] =	vst v63  }
0x47: {  	_ =	swait.ge [sflag:s26], $0x2000  }
0x48: {  	[sflag:s26] =	ssyncset.done $0x0  }
0x49: {  	[sflag:s26] =	ssyncadd.s32 $0xFFFFE000  }
0x4a: {  	_ =	swait.ge [sflag:s29], $0x2000  }
0x4b: {  	[sflag:s29] =	ssyncset.done $0x0  }
0x4c: {  	s10 =	sadd.s32 $0xFFFFF800, s11;
	[sflag:s29] =	ssyncadd.s32 $0xFFFFE000  }
0x4d: {  	[hbm4b:s10+s3] =	stream.linear.scatter [tilespmem:s25], [sflag:$0xE], $0x4000, $0x38;
	[tilespmem:$0x15900] =	vst v63  }
0x4e: {  	_ =	swait.ge [sflag:s31], $0x2000  }
0x4f: {  	[sflag:s31] =	ssyncset.done $0x0  }
0x50: {  	[sflag:s31] =	ssyncadd.s32 $0xFFFFE000  }
0x51: {  	_ =	swait.ge [sflag:s4], $0x2000  }
0x52: {  	[sflag:s4] =	ssyncset.done $0x0  }
0x53: {  	[sflag:s4] =	ssyncadd.s32 $0xFFFFE000  }
0x54: {  	[hbm4b:s11+s3] =	stream.linear.scatter [tilespmem:s30], [sflag:$0xF], $0x4000, $0x38;
	[tilespmem:$0x15900] =	vst v63  }
0x55: {  	_ =	swait.ge [sflag:s5], $0x4000  }
0x56: {  	[sflag:s5] =	ssyncset.done $0x0  }
0x57: {  	s10 =	simm.s32 $0x280;
	[sflag:s5] =	ssyncadd.s32 $0xFFFFC000  }
0x58: {  	[tilespmem:s14], [sflag:$0x1] =	stream.indirect.gather [hbm4b:s1+s13], $0x80, s10, s13, $0xb8;
	[tilespmem:$0x15900] =	vst v63  }
0x59: {  	s10 =	simm.s32 $0x2C0  }
0x5a: {  	[tilespmem:s12], [sflag:$0x2] =	stream.indirect.gather [hbm4b:s1+s13], $0x80, s10, s13, $0xb8;
	[tilespmem:$0x15900] =	vst v63  }
0x5b: {  	_ =	swait.ge [sflag:s6], $0x4000  }
0x5c: {  	[sflag:s6] =	ssyncset.done $0x0  }
0x5d: {  	s12 =	simm.s32 $0x300;
	[sflag:s6] =	ssyncadd.s32 $0xFFFFC000  }
0x5e: {  	[tilespmem:s17], [sflag:$0x3] =	stream.indirect.gather [hbm4b:s1+s13], $0x80, s12, s13, $0xb8;
	[tilespmem:$0x15900] =	vst v63  }
0x5f: {  	s12 =	simm.s32 $0x340  }
0x60: {  	[tilespmem:s15], [sflag:$0x4] =	stream.indirect.gather [hbm4b:s1+s13], $0x80, s12, s13, $0xb8;
	[tilespmem:$0x15900] =	vst v63  }
0x61: {  	_ =	swait.ge [sflag:s7], $0x4000  }
0x62: {  	[sflag:s7] =	ssyncset.done $0x0  }
0x63: {  	s12 =	simm.s32 $0x380;
	[sflag:s7] =	ssyncadd.s32 $0xFFFFC000  }
0x64: {  	[tilespmem:s21], [sflag:$0x5] =	stream.indirect.gather [hbm4b:s1+s13], $0x80, s12, s13, $0xb8;
	[tilespmem:$0x15900] =	vst v63  }
0x65: {  	s15 =	simm.s32 $0x3C0  }
0x66: {  	[tilespmem:s19], [sflag:$0x6] =	stream.indirect.gather [hbm4b:s1+s13], $0x80, s15, s13, $0xb8;
	[tilespmem:$0x15900] =	vst v63  }
0x67: {  	_ =	swait.ge [sflag:s8], $0x4000  }
0x68: {  	[sflag:s8] =	ssyncset.done $0x0  }
0x69: {  	s12 =	simm.s32 $0x400;
	[sflag:s8] =	ssyncadd.s32 $0xFFFFC000  }
0x6a: {  	[tilespmem:s25], [sflag:$0x7] =	stream.indirect.gather [hbm4b:s1+s13], $0x80, s12, s13, $0xb8;
	[tilespmem:$0x15900] =	vst v63  }
0x6b: {  	s15 =	simm.s32 $0x440  }
0x6c: {  	[tilespmem:s2], [sflag:$0x8] =	stream.indirect.gather [hbm4b:s1+s13], $0x80, s15, s13, $0xb8;
	[tilespmem:$0x15900] =	vst v63  }
0x6d: {  	_ =	swait.ge [sflag:s9], $0x4000  }
0x6e: {  	s11 =	sadd.s32 $0x2800, s11;
	[sflag:s9] =	ssyncset.done $0x0  }
0x6f: {  	s10 =	simm.s32 $0x4C0;
	s19 =	simm.s32 $0x480;
	[sflag:s9] =	ssyncadd.s32 $0xFFFFC000  }
0x70: {  	[tilespmem:s30], [sflag:$0x9] =	stream.indirect.gather [hbm4b:s1+s13], $0x80, s19, s13, $0xb8;
	[tilespmem:$0x15900] =	vst v63  }
0x71: {  	s12 =	simm.s32 $0xA00;
	s2 =	simm.s32 $0xF900;
	s19 =	simm.s32 $0x3900  }
.LBB2_2:
0x72: {  	s15 =	simm.s32 $0x13900  }
0x73: {  	[tilespmem:s15], [sflag:$0xA] =	stream.indirect.gather [hbm4b:s1+s13], $0x80, s10, s13, $0xb8;
	[tilespmem:$0x15900] =	vst v63  }
0x74: {  	s10 =	smov.u32 s12  }
0x75: {  	p0 =	sne.s32 s12, $0x5000;
	s12 =	sadd.s32 $0xA00, s12;
	_ =	swait.ge [sflag:s0], $0x2000  }
0x76: {  	[sflag:s0] =	ssyncset.done $0x0  }
0x77: {  	[sflag:s0] =	ssyncadd.s32 $0xFFFFE000  }
0x78: {  	_ =	swait.ge [sflag:s16], $0x2000  }
0x79: {  	[sflag:s16] =	ssyncset.done $0x0  }
0x7a: {  	s15 =	sadd.s32 $0xFFFFE000, s11;
	[sflag:s16] =	ssyncadd.s32 $0xFFFFE000  }
0x7b: {  	[hbm4b:s15+s3] =	stream.linear.scatter [tilespmem:s14], [sflag:$0xB], $0x4000, $0x38;
	[tilespmem:$0x15900] =	vst v63  }
0x7c: {  	_ =	swait.ge [sflag:s18], $0x2000  }
0x7d: {  	[sflag:s18] =	ssyncset.done $0x0  }
0x7e: {  	[sflag:s18] =	ssyncadd.s32 $0xFFFFE000  }
0x7f: {  	_ =	swait.ge [sflag:s20], $0x2000  }
0x80: {  	[sflag:s20] =	ssyncset.done $0x0  }
0x81: {  	s15 =	sadd.s32 $0xFFFFE800, s11;
	[sflag:s20] =	ssyncadd.s32 $0xFFFFE000  }
0x82: {  	[hbm4b:s15+s3] =	stream.linear.scatter [tilespmem:s17], [sflag:$0xC], $0x4000, $0x38;
	[tilespmem:$0x15900] =	vst v63  }
0x83: {  	_ =	swait.ge [sflag:s22], $0x2000  }
0x84: {  	[sflag:s22] =	ssyncset.done $0x0  }
0x85: {  	[sflag:s22] =	ssyncadd.s32 $0xFFFFE000  }
0x86: {  	_ =	swait.ge [sflag:s24], $0x2000  }
0x87: {  	[sflag:s24] =	ssyncset.done $0x0  }
0x88: {  	s15 =	sadd.s32 $0xFFFFF000, s11;
	[sflag:s24] =	ssyncadd.s32 $0xFFFFE000  }
0x89: {  	[hbm4b:s15+s3] =	stream.linear.scatter [tilespmem:s21], [sflag:$0xD], $0x4000, $0x38;
	[tilespmem:$0x15900] =	vst v63  }
0x8a: {  	_ =	swait.ge [sflag:s26], $0x2000  }
0x8b: {  	[sflag:s26] =	ssyncset.done $0x0  }
0x8c: {  	[sflag:s26] =	ssyncadd.s32 $0xFFFFE000  }
0x8d: {  	_ =	swait.ge [sflag:s29], $0x2000  }
0x8e: {  	[sflag:s29] =	ssyncset.done $0x0  }
0x8f: {  	s15 =	sadd.s32 $0xFFFFF800, s11;
	[sflag:s29] =	ssyncadd.s32 $0xFFFFE000  }
0x90: {  	[hbm4b:s15+s3] =	stream.linear.scatter [tilespmem:s25], [sflag:$0xE], $0x4000, $0x38;
	[tilespmem:$0x15900] =	vst v63  }
0x91: {  	_ =	swait.ge [sflag:s31], $0x2000  }
0x92: {  	[sflag:s31] =	ssyncset.done $0x0  }
0x93: {  	[sflag:s31] =	ssyncadd.s32 $0xFFFFE000  }
0x94: {  	_ =	swait.ge [sflag:s4], $0x2000  }
0x95: {  	[sflag:s4] =	ssyncset.done $0x0  }
0x96: {  	[sflag:s4] =	ssyncadd.s32 $0xFFFFE000  }
0x97: {  	[hbm4b:s11+s3] =	stream.linear.scatter [tilespmem:s30], [sflag:$0xF], $0x4000, $0x38;
	[tilespmem:$0x15900] =	vst v63  }
0x98: {  	_ =	swait.ge [sflag:s5], $0x4000  }
0x99: {  	s10 =	sshra.s32 s10, $0x2;
	[sflag:s5] =	ssyncset.done $0x0  }
0x9a: {  	s15 =	sadd.s32 $0x280, s10;
	[sflag:s5] =	ssyncadd.s32 $0xFFFFC000  }
0x9b: {  	[tilespmem:s14], [sflag:$0x1] =	stream.indirect.gather [hbm4b:s1+s13], $0x80, s15, s13, $0xb8;
	[tilespmem:$0x15900] =	vst v63  }
0x9c: {  	s15 =	sadd.s32 $0x2C0, s10  }
0x9d: {  	[tilespmem:s19], [sflag:$0x2] =	stream.indirect.gather [hbm4b:s1+s13], $0x80, s15, s13, $0xb8;
	[tilespmem:$0x15900] =	vst v63  }
0x9e: {  	_ =	swait.ge [sflag:s6], $0x4000  }
0x9f: {  	[sflag:s6] =	ssyncset.done $0x0  }
0xa0: {  	s15 =	sadd.s32 $0x300, s10;
	[sflag:s6] =	ssyncadd.s32 $0xFFFFC000  }
0xa1: {  	[tilespmem:s17], [sflag:$0x3] =	stream.indirect.gather [hbm4b:s1+s13], $0x80, s15, s13, $0xb8;
	[tilespmem:$0x15900] =	vst v63  }
0xa2: {  	s15 =	sadd.s32 $0x340, s10  }
0xa3: {  	[tilespmem:s23], [sflag:$0x4] =	stream.indirect.gather [hbm4b:s1+s13], $0x80, s15, s13, $0xb8;
	[tilespmem:$0x15900] =	vst v63  }
0xa4: {  	_ =	swait.ge [sflag:s7], $0x4000  }
0xa5: {  	[sflag:s7] =	ssyncset.done $0x0  }
0xa6: {  	s15 =	sadd.s32 $0x380, s10;
	[sflag:s7] =	ssyncadd.s32 $0xFFFFC000  }
0xa7: {  	[tilespmem:s21], [sflag:$0x5] =	stream.indirect.gather [hbm4b:s1+s13], $0x80, s15, s13, $0xb8;
	[tilespmem:$0x15900] =	vst v63  }
0xa8: {  	s15 =	sadd.s32 $0x3C0, s10  }
0xa9: {  	[tilespmem:s28], [sflag:$0x6] =	stream.indirect.gather [hbm4b:s1+s13], $0x80, s15, s13, $0xb8;
	[tilespmem:$0x15900] =	vst v63  }
0xaa: {  	_ =	swait.ge [sflag:s8], $0x4000  }
0xab: {  	[sflag:s8] =	ssyncset.done $0x0  }
0xac: {  	s15 =	sadd.s32 $0x400, s10;
	[sflag:s8] =	ssyncadd.s32 $0xFFFFC000  }
0xad: {  	[tilespmem:s25], [sflag:$0x7] =	stream.indirect.gather [hbm4b:s1+s13], $0x80, s15, s13, $0xb8;
	[tilespmem:$0x15900] =	vst v63  }
0xae: {  	s15 =	sadd.s32 $0x440, s10  }
0xaf: {  	[tilespmem:s2], [sflag:$0x8] =	stream.indirect.gather [hbm4b:s1+s13], $0x80, s15, s13, $0xb8;
	[tilespmem:$0x15900] =	vst v63  }
.Ltmp0:
0xb0: {  	_ =	swait.ge [sflag:s9], $0x4000;
	(pc) =	sbr.rel @p0 .LBB2_2-.Ltmp0, $4  }
0xb1: {  	[sflag:s9] =	ssyncset.done $0x0  }
0xb2: {  	s15 =	sadd.s32 $0x480, s10;
	[sflag:s9] =	ssyncadd.s32 $0xFFFFC000  }
0xb3: {  	[tilespmem:s30], [sflag:$0x9] =	stream.indirect.gather [hbm4b:s1+s13], $0x80, s15, s13, $0xb8;
	[tilespmem:$0x15900] =	vst v63  }
0xb4: {  	s11 =	sadd.s32 $0x2800, s11;
	s10 =	sadd.s32 $0x4C0, s10  }
0xb5: {  	s2 =	simm.s32 $0x13900  }
0xb6: {  	[tilespmem:s2], [sflag:$0xA] =	stream.indirect.gather [hbm4b:s1+s13], $0x80, s10, s13, $0xb8;
	[tilespmem:$0x15900] =	vst v63  }
0xb7: {  	_ =	swait.ge [sflag:s0], $0x2000  }
0xb8: {  	[sflag:s0] =	ssyncset.done $0x0  }
0xb9: {  	[sflag:s0] =	ssyncadd.s32 $0xFFFFE000  }
0xba: {  	_ =	swait.ge [sflag:s16], $0x2000  }
0xbb: {  	[sflag:s16] =	ssyncset.done $0x0  }
0xbc: {  	s19 =	rddreg [dreg:$0x5];
	[sflag:s16] =	ssyncadd.s32 $0xFFFFE000  }
0xbd: {  	[hbm4b:s19+s3] =	stream.linear.scatter [tilespmem:s14], [sflag:$0xB], $0x4000, $0x38;
	[tilespmem:$0x15900] =	vst v63  }
0xbe: {  	_ =	swait.ge [sflag:s18], $0x2000  }
0xbf: {  	[sflag:s18] =	ssyncset.done $0x0  }
0xc0: {  	[sflag:s18] =	ssyncadd.s32 $0xFFFFE000  }
0xc1: {  	_ =	swait.ge [sflag:s20], $0x2000  }
0xc2: {  	[sflag:s20] =	ssyncset.done $0x0  }
0xc3: {  	s2 =	rddreg [dreg:$0x6];
	[sflag:s20] =	ssyncadd.s32 $0xFFFFE000  }
0xc4: {  	[hbm4b:s2+s3] =	stream.linear.scatter [tilespmem:s17], [sflag:$0xC], $0x4000, $0x38;
	[tilespmem:$0x15900] =	vst v63  }
0xc5: {  	_ =	swait.ge [sflag:s22], $0x2000  }
0xc6: {  	[sflag:s22] =	ssyncset.done $0x0  }
0xc7: {  	[sflag:s22] =	ssyncadd.s32 $0xFFFFE000  }
0xc8: {  	_ =	swait.ge [sflag:s24], $0x2000  }
0xc9: {  	[sflag:s24] =	ssyncset.done $0x0  }
0xca: {  	s11 =	rddreg [dreg:$0x7];
	[sflag:s24] =	ssyncadd.s32 $0xFFFFE000  }
0xcb: {  	[hbm4b:s11+s3] =	stream.linear.scatter [tilespmem:s21], [sflag:$0xD], $0x4000, $0x38;
	[tilespmem:$0x15900] =	vst v63  }
0xcc: {  	_ =	swait.ge [sflag:s26], $0x2000  }
0xcd: {  	[sflag:s26] =	ssyncset.done $0x0  }
0xce: {  	[sflag:s26] =	ssyncadd.s32 $0xFFFFE000  }
0xcf: {  	_ =	swait.ge [sflag:s29], $0x2000  }
0xd0: {  	[sflag:s29] =	ssyncset.done $0x0  }
0xd1: {  	s12 =	rddreg [dreg:$0x8];
	[sflag:s29] =	ssyncadd.s32 $0xFFFFE000  }
0xd2: {  	[hbm4b:s12+s3] =	stream.linear.scatter [tilespmem:s25], [sflag:$0xE], $0x4000, $0x38;
	[tilespmem:$0x15900] =	vst v63  }
0xd3: {  	_ =	swait.ge [sflag:s31], $0x2000  }
0xd4: {  	[sflag:s31] =	ssyncset.done $0x0  }
0xd5: {  	[sflag:s31] =	ssyncadd.s32 $0xFFFFE000  }
0xd6: {  	_ =	swait.ge [sflag:s4], $0x2000  }
0xd7: {  	[sflag:s4] =	ssyncset.done $0x0  }
0xd8: {  	s15 =	rddreg [dreg:$0x9];
	[sflag:s4] =	ssyncadd.s32 $0xFFFFE000  }
0xd9: {  	[hbm4b:s15+s3] =	stream.linear.scatter [tilespmem:s30], [sflag:$0xF], $0x4000, $0x38;
	[tilespmem:$0x15900] =	vst v63  }
0xda: {  	_ =	swait.ge [sflag:s5], $0x4000  }
0xdb: {  	[sflag:s5] =	ssyncset.done $0x0  }
0xdc: {  	[sflag:s5] =	ssyncadd.s32 $0xFFFFC000  }
0xdd: {  	_ =	swait.ge [sflag:s6], $0x4000  }
0xde: {  	[sflag:s6] =	ssyncset.done $0x0  }
0xdf: {  	[sflag:s6] =	ssyncadd.s32 $0xFFFFC000  }
0xe0: {  	_ =	swait.ge [sflag:s7], $0x4000  }
0xe1: {  	[sflag:s7] =	ssyncset.done $0x0  }
0xe2: {  	[sflag:s7] =	ssyncadd.s32 $0xFFFFC000  }
0xe3: {  	_ =	swait.ge [sflag:s8], $0x4000  }
0xe4: {  	[sflag:s8] =	ssyncset.done $0x0  }
0xe5: {  	[sflag:s8] =	ssyncadd.s32 $0xFFFFC000  }
0xe6: {  	_ =	swait.ge [sflag:s9], $0x4000  }
0xe7: {  	s11 =	rddreg [dreg:$0xc]  }
0xe8: {  	s19 =	rddreg [dreg:$0xa];
	s11 =	sadd.s32 $0x1, s11  }
0xe9: {  	p0 =	sne.s32 s11, s19  }
.Ltmp1:
0xea: {  	_ = 	snop;
	(pc) =	sbr.rel @p0 .LBB2_1-.Ltmp1, $3  }
0xeb: {  	_ =	sdelay $0x1  }
0xec: {  	s2 =	simm.s32 $0xF900;
	s12 =	simm.s32 $0x3900;
	[sflag:s9] =	ssyncset.done $0x0  }
0xed: {  	s15 =	simm.s32 $0x7900;
	[sflag:s9] =	ssyncadd.s32 $0xFFFFC000;
	s19 =	simm.s32 $0xB900  }
0xee: {  	_ =	sfence.sel $0x180000  }
0xef: {  	[bflag:$0x0] =	sbarrier.arrive $0xFFFF  }
0xf0: {  	_ =	strace $0x90000047  }
0xf1: {  	s0 =	stileid.u32;
	[bflag:$0x2] =	sbarrier.arrive $0xFFFF  }
0xf2: {  	p0 =	sne.s32 s0, $0x0;
	s0 =	rddreg [dreg:$0x3]  }
0xf3: {  	s0 =	sadd.s32 @!p0 $0x100000, s0  }
0xf4: {  	[sflag:s0] =	ssyncadd.tile.s32 @!p0 $0x1;
	_ =	shalt  }
.Lfunc_end2:
_tile_overlayer_lowered:
.L_overlay_start_2:
0xf5: {  	(tag) =	ssettag $0x2  }
0xf6: {  	s0 =	rddreg [dreg:$0x0];
	s2 =	stileid.u32  }
0xf7: {  	s1 =	rddreg [dreg:$0x1];
	p0 =	sne.s32 s2, $0x0  }
0xf8: {  	s3 =	rddreg [dreg:$0x2];
	[bflag:$0x3] =	sbarrier.arrive $0xFFFF;
	s2 =	simm.s32 @!p0 $0x1C10  }
0xf9: {  	[timem:s3], [sflag:s2] =	dma.local @!p0 [hbm:s0], s1  }
0xfa: {  	s0 =	simm.s32 @!p0 $0x10  }
0xfb: {  	_ =	swait.ge @!p0 [sflag:s0], s1  }
0xfc: {  	s1 =	ssub.s32 @!p0 $0x0, s1;
	[sflag:s0] =	ssyncset.done @!p0 $0x0  }
0xfd: {  	[sflag:s0] =	ssyncadd.s32 @!p0 s1  }
0xfe: {  	[bflag:$0x3] =	sbarrier.arrive $0xFFFF  }
0xff: {  	_ =	shalt  }

</sc_bundles>
